<compile_context>
chip_gen: v7x
topology: tpu7x:2x2x1
jax: 0.10.2.dev20260603
libtpu: 0.0.44.dev20260713+nightly
codegen_flags: <defaults>
</compile_context>

<pallas_src>
import functools

import jax
import jax.numpy as jnp
from jax import lax
from jax.experimental import pallas as pl
from jax.experimental.pallas import tpu as pltpu
from jax.experimental.pallas import tpu_sc as plsc

DIM = 32
NUM_CORES = 2
NUM_SUBCORES = 16
NW = NUM_CORES * NUM_SUBCORES
LN = 16


@functools.lru_cache(maxsize=None)
def _make_lookup(R: int, T: int, V: int):
    bw = R // NW
    bt_w = bw // 128
    dt_n = DIM // 8
    mesh = plsc.VectorSubcoreMesh(core_axis_name="c", subcore_axis_name="s")

    @functools.partial(
        pl.kernel,
        out_type=jax.ShapeDtypeStruct((T, dt_n, R // 128, 8, 128), jnp.float32),
        mesh=mesh,
        compiler_params=pltpu.CompilerParams(
            use_tc_tiling_on_sc=False, needs_layout_passes=False
        ),
        scratch_types=[
            pltpu.VMEM((T, bw), jnp.int32),
            pltpu.VMEM((bw, DIM), jnp.float32),
            pltpu.VMEM((bw, DIM), jnp.float32),
            pltpu.VMEM((dt_n, bt_w, 8, 128), jnp.float32),
            pltpu.VMEM((dt_n, bt_w, 8, 128), jnp.float32),
            pltpu.SemaphoreType.DMA,
            pltpu.SemaphoreType.DMA,
            pltpu.SemaphoreType.DMA,
            pltpu.SemaphoreType.DMA,
        ],
    )
    def lookup(table_hbm, idx_hbm, out_hbm, idx_v, rb0, rb1, ob0, ob1, g0, g1, o0, o1):
        wid = lax.axis_index("s") * NUM_CORES + lax.axis_index("c")
        pltpu.sync_copy(idx_hbm.at[wid], idx_v)

        rbufs = (rb0, rb1)
        obufs = (ob0, ob1)
        gsems = (g0, g1)
        osems = (o0, o1)
        iota = lax.iota(jnp.int32, LN)

        def gather_start(t, slot):
            pltpu.async_copy(table_hbm.at[idx_v.at[t]], rbufs[slot], gsems[slot])

        def wb_copy(t, slot):
            return pltpu.make_async_copy(
                obufs[slot],
                out_hbm.at[t, :, pl.ds(bt_w * wid, bt_w)],
                osems[slot],
            )

        gather_start(0, 0)
        gather_start(1, 1)

        def step(t, slot):
            pltpu.make_async_copy(
                table_hbm.at[idx_v.at[t]], rbufs[slot], gsems[slot]
            ).wait()

            @pl.when(t >= 2)
            def _():
                wb_copy(t - 2, slot).wait()

            rb, ob = rbufs[slot], obufs[slot]

            @plsc.parallel_loop(0, dt_n * bt_w * 8, unroll=8)
            def _(k):
                dt = k // (bt_w * 8)
                bt = (k // 8) % bt_w
                ds = k % 8
                col = jnp.full((LN,), dt * 8 + ds, jnp.int32)
                for blk in range(128 // LN):
                    row = bt * 128 + blk * LN + iota
                    ob[dt, bt, ds, pl.ds(blk * LN, LN)] = plsc.load_gather(
                        rb, [row, col]
                    )

            wb_copy(t, slot).start()
            nxt = t + 2

            @pl.when(nxt < T)
            def _():
                gather_start(nxt, slot)

        @pl.loop(0, T, step=2)
        def _(t):
            step(t, 0)
            step(t + 1, 1)

        for slot in range(2):
            wb_copy(T - 2 + slot, slot).wait()

    return lookup


def kernel(X, embed):
    R, T = X.shape
    V, D = embed.shape
    idx = (
        X.T.reshape(T, NW, R // NW).transpose(1, 0, 2).astype(jnp.int32)
    )
    out5 = _make_lookup(R, T, V)(embed, idx)
    return out5.transpose(2, 4, 0, 1, 3).reshape(R, T, D)

# --- scband reference (transcript-rebuilt; emitter-appended) ---
"""Pipeline reference for scband-embedding-layer-58858231824558 (READ-ONLY COPY).

The authoritative reference and input builder live on the scoring server;
editing this copy changes nothing except your own understanding.
"""

import jax, jax.numpy as jnp
import numpy as np

NUM_EMBEDDINGS = 1000000
DIM = 32

def setup_inputs(seed: int = 0) -> dict:
    key = jax.random.key(seed)
    k1, k2 = jax.random.split(key)
    X = jax.random.randint(k1, (16384, 50), 0, NUM_EMBEDDINGS, dtype=jnp.int64 if jax.config.jax_enable_x64 else jnp.int32)
    scale = np.sqrt(12.0 / (NUM_EMBEDDINGS + DIM))
    embed = jax.random.normal(k2, (NUM_EMBEDDINGS, DIM), dtype=jnp.float32) * scale
    return {"X": X, "embed": embed}

def reference(X, embed):
    # tf.nn.embedding_lookup(self.embed, X)
    return jnp.take(embed, X, axis=0)

if __name__ == "__main__":
    import jax
    _d = setup_inputs()
    print(jax.jit(kernel)(*tuple(_d.values())))

</pallas_src>

<mosaic_0001>
#map = affine_map<(d0, d1) -> (0, 0)>
#map1 = affine_map<(d0, d1) -> (0, 0, 0)>
#map2 = affine_map<(d0, d1) -> (0, 0, 0, 0, 0)>
module attributes {stable_mosaic.version = 14 : i64} {
  func.func @lookup(%arg0: i32, %arg1: i32, %arg2: memref<1000000x32xf32, #tpu.memory_space<hbm>>, %arg3: memref<32x50x512xi32, #tpu.memory_space<hbm>>, %arg4: memref<50x4x128x8x128xf32, #tpu.memory_space<hbm>>, %arg5: memref<50x512xi32, #tpu.memory_space<vmem>>, %arg6: memref<512x32xf32, #tpu.memory_space<vmem>>, %arg7: memref<512x32xf32, #tpu.memory_space<vmem>>, %arg8: memref<4x4x8x128xf32, #tpu.memory_space<vmem>>, %arg9: memref<4x4x8x128xf32, #tpu.memory_space<vmem>>, %arg10: memref<!tpu.dma_semaphore, #tpu.memory_space<semaphore_mem>>, %arg11: memref<!tpu.dma_semaphore, #tpu.memory_space<semaphore_mem>>, %arg12: memref<!tpu.dma_semaphore, #tpu.memory_space<semaphore_mem>>, %arg13: memref<!tpu.dma_semaphore, #tpu.memory_space<semaphore_mem>>) attributes {dimension_semantics = [#tpu.dimension_semantics<core_parallel>, #tpu.dimension_semantics<subcore_parallel>], iteration_bounds = array<i64: 2, 16>, scalar_prefetch = 0 : i64, scratch_operands = 9 : i64, tpu.core_type = #tpu.core_type<sc_vector_subcore>, window_params = [{transform_indices = #map}, {transform_indices = #map1}, {transform_indices = #map2}]} {
    %mul3A = arith.constant 2 : i32
    %mul3A_0 = arith.muli %arg1, %mul3A : i32
    %add3A = arith.addi %mul3A_0, %arg0 : i32
    "tpu.region"() ({
      %run_scoped3A = tpu.sem_alloc : memref<!tpu.dma_semaphore, #tpu.memory_space<semaphore_mem>>
      %dma_start3A_43 = arith.constant 0 : i32
      %dma_start3A_44 = arith.constant 0 : i32
      %dma_start3A_45 = tpu.memref_slice %arg3[%add3A, %dma_start3A_43, %dma_start3A_44] : memref<32x50x512xi32, #tpu.memory_space<hbm>> -> memref<1x50x512xi32, #tpu.memory_space<hbm>>
      %dma_start3A_46 = tpu.memref_squeeze %dma_start3A_45 : memref<1x50x512xi32, #tpu.memory_space<hbm>> -> memref<50x512xi32, #tpu.memory_space<hbm>>
      %dma_start3A_47 = arith.constant 0 : i32
      %dma_start3A_48 = arith.constant 0 : i32
      %dma_start3A_49 = tpu.memref_slice %arg3[%add3A, %dma_start3A_47, %dma_start3A_48] : memref<32x50x512xi32, #tpu.memory_space<hbm>> -> memref<1x50x512xi32, #tpu.memory_space<hbm>>
      %dma_start3A_50 = tpu.memref_squeeze %dma_start3A_49 : memref<1x50x512xi32, #tpu.memory_space<hbm>> -> memref<50x512xi32, #tpu.memory_space<hbm>>
      tpu.enqueue_dma source(%dma_start3A_50 : memref<50x512xi32, #tpu.memory_space<hbm>>) target(%arg5 : memref<50x512xi32, #tpu.memory_space<vmem>>) target_semaphore(%run_scoped3A : memref<!tpu.dma_semaphore, #tpu.memory_space<semaphore_mem>>)
      %dma_wait3A_51 = arith.constant 0 : i32
      %dma_wait3A_52 = arith.constant 0 : i32
      %dma_wait3A_53 = tpu.memref_slice %arg3[%add3A, %dma_wait3A_51, %dma_wait3A_52] : memref<32x50x512xi32, #tpu.memory_space<hbm>> -> memref<1x50x512xi32, #tpu.memory_space<hbm>>
      %dma_wait3A_54 = tpu.memref_squeeze %dma_wait3A_53 : memref<1x50x512xi32, #tpu.memory_space<hbm>> -> memref<50x512xi32, #tpu.memory_space<hbm>>
      %dma_wait3A_55 = arith.constant 0 : i32
      %dma_wait3A_56 = arith.constant 0 : i32
      %dma_wait3A_57 = tpu.memref_slice %arg3[%add3A, %dma_wait3A_55, %dma_wait3A_56] : memref<32x50x512xi32, #tpu.memory_space<hbm>> -> memref<1x50x512xi32, #tpu.memory_space<hbm>>
      %dma_wait3A_58 = tpu.memref_squeeze %dma_wait3A_57 : memref<1x50x512xi32, #tpu.memory_space<hbm>> -> memref<50x512xi32, #tpu.memory_space<hbm>>
      tpu.wait_dma2 semaphore(%run_scoped3A : memref<!tpu.dma_semaphore, #tpu.memory_space<semaphore_mem>>) src(%dma_wait3A_58 : memref<50x512xi32, #tpu.memory_space<hbm>>) dst(%arg5 : memref<50x512xi32, #tpu.memory_space<vmem>>)
      tpu.yield
    }) : () -> ()
    %iota3A = tpu.iota {dimensions = array<i32: 0>} : vector<16xi32>
    %dma_start3A = arith.constant 0 : i32
    %dma_start3A_1 = arith.constant 0 : i32
    %dma_start3A_2 = tpu.memref_slice %arg5[%dma_start3A, %dma_start3A_1] : memref<50x512xi32, #tpu.memory_space<vmem>> -> memref<1x512xi32, #tpu.memory_space<vmem>>
    %dma_start3A_3 = tpu.memref_squeeze %dma_start3A_2 : memref<1x512xi32, #tpu.memory_space<vmem>> -> memref<512xi32, #tpu.memory_space<vmem>>
    %dma_start3A_4 = arith.constant 0 : i32
    %dma_start3A_5 = arith.constant 0 : i32
    %dma_start3A_6 = tpu.memref_slice %arg2[%dma_start3A_4, %dma_start3A_5] : memref<1000000x32xf32, #tpu.memory_space<hbm>> -> memref<1000000x32xf32, #tpu.memory_space<hbm>>
    tpu.enqueue_indirect_dma source(%dma_start3A_6 : memref<1000000x32xf32, #tpu.memory_space<hbm>>) target(%arg6 : memref<512x32xf32, #tpu.memory_space<vmem>>) offsets(%dma_start3A_3 : memref<512xi32, #tpu.memory_space<vmem>>) semaphore(%arg10 : memref<!tpu.dma_semaphore, #tpu.memory_space<semaphore_mem>>)
    %dma_start3A_7 = arith.constant 1 : i32
    %dma_start3A_8 = arith.constant 0 : i32
    %dma_start3A_9 = tpu.memref_slice %arg5[%dma_start3A_7, %dma_start3A_8] : memref<50x512xi32, #tpu.memory_space<vmem>> -> memref<1x512xi32, #tpu.memory_space<vmem>>
    %dma_start3A_10 = tpu.memref_squeeze %dma_start3A_9 : memref<1x512xi32, #tpu.memory_space<vmem>> -> memref<512xi32, #tpu.memory_space<vmem>>
    %dma_start3A_11 = arith.constant 0 : i32
    %dma_start3A_12 = arith.constant 0 : i32
    %dma_start3A_13 = tpu.memref_slice %arg2[%dma_start3A_11, %dma_start3A_12] : memref<1000000x32xf32, #tpu.memory_space<hbm>> -> memref<1000000x32xf32, #tpu.memory_space<hbm>>
    tpu.enqueue_indirect_dma source(%dma_start3A_13 : memref<1000000x32xf32, #tpu.memory_space<hbm>>) target(%arg7 : memref<512x32xf32, #tpu.memory_space<vmem>>) offsets(%dma_start3A_10 : memref<512xi32, #tpu.memory_space<vmem>>) semaphore(%arg11 : memref<!tpu.dma_semaphore, #tpu.memory_space<semaphore_mem>>)
    %scan3A = arith.constant 0 : i32
    %scan3A_14 = arith.constant 25 : i32
    %scan3A_15 = arith.addi %scan3A, %scan3A_14 : i32
    %scan3A_16 = arith.constant 1 : i32
    scf.for %scan3A_43 = %scan3A to %scan3A_15 step %scan3A_16  : i32 {
      %mul3A_44 = arith.constant 2 : i32
      %mul3A_45 = arith.muli %scan3A_43, %mul3A_44 : i32
      %add3A_46 = arith.constant 0 : i32
      %add3A_47 = arith.addi %add3A_46, %mul3A_45 : i32
      %dma_wait3A_48 = arith.constant 0 : i32
      %dma_wait3A_49 = tpu.memref_slice %arg5[%add3A_47, %dma_wait3A_48] : memref<50x512xi32, #tpu.memory_space<vmem>> -> memref<1x512xi32, #tpu.memory_space<vmem>>
      %dma_wait3A_50 = tpu.memref_squeeze %dma_wait3A_49 : memref<1x512xi32, #tpu.memory_space<vmem>> -> memref<512xi32, #tpu.memory_space<vmem>>
      %dma_wait3A_51 = arith.constant 0 : i32
      %dma_wait3A_52 = arith.constant 0 : i32
      %dma_wait3A_53 = tpu.memref_slice %arg2[%dma_wait3A_51, %dma_wait3A_52] : memref<1000000x32xf32, #tpu.memory_space<hbm>> -> memref<1000000x32xf32, #tpu.memory_space<hbm>>
      tpu.wait_indirect_dma semaphore(%arg10 : memref<!tpu.dma_semaphore, #tpu.memory_space<semaphore_mem>>) src(%dma_wait3A_53 : memref<1000000x32xf32, #tpu.memory_space<hbm>>) dst(%arg6 : memref<512x32xf32, #tpu.memory_space<vmem>>)
      %ge3A = arith.constant 2 : i32
      %ge3A_54 = arith.cmpi sge, %add3A_47, %ge3A : i32
      %convert_element_type3A = arith.extui %ge3A_54 : i1 to i32
      %cond3A = arith.constant 0 : i32
      %cond3A_55 = arith.cmpi ne, %convert_element_type3A, %cond3A : i32
      scf.if %cond3A_55 {
        %sub3A = arith.constant 2 : i32
        %sub3A_111 = arith.subi %add3A_47, %sub3A : i32
        %mul3A_112 = arith.constant 4 : i32
        %mul3A_113 = arith.muli %mul3A_112, %add3A : i32
        %dma_wait3A_114 = arith.constant 0 : i32
        %dma_wait3A_115 = arith.constant 0 : i32
        %dma_wait3A_116 = arith.constant 0 : i32
        %dma_wait3A_117 = tpu.memref_slice %arg4[%sub3A_111, %dma_wait3A_114, %mul3A_113, %dma_wait3A_115, %dma_wait3A_116] : memref<50x4x128x8x128xf32, #tpu.memory_space<hbm>> -> memref<1x4x4x8x128xf32, #tpu.memory_space<hbm>>
        %dma_wait3A_118 = tpu.memref_squeeze %dma_wait3A_117 : memref<1x4x4x8x128xf32, #tpu.memory_space<hbm>> -> memref<4x4x8x128xf32, #tpu.memory_space<hbm>>
        %dma_wait3A_119 = arith.constant 0 : i32
        %dma_wait3A_120 = arith.constant 0 : i32
        %dma_wait3A_121 = arith.constant 0 : i32
        %dma_wait3A_122 = tpu.memref_slice %arg4[%sub3A_111, %dma_wait3A_119, %mul3A_113, %dma_wait3A_120, %dma_wait3A_121] : memref<50x4x128x8x128xf32, #tpu.memory_space<hbm>> -> memref<1x4x4x8x128xf32, #tpu.memory_space<hbm>>
        %dma_wait3A_123 = tpu.memref_squeeze %dma_wait3A_122 : memref<1x4x4x8x128xf32, #tpu.memory_space<hbm>> -> memref<4x4x8x128xf32, #tpu.memory_space<hbm>>
        tpu.wait_dma2 semaphore(%arg12 : memref<!tpu.dma_semaphore, #tpu.memory_space<semaphore_mem>>) src(%arg8 : memref<4x4x8x128xf32, #tpu.memory_space<vmem>>) dst(%dma_wait3A_123 : memref<4x4x8x128xf32, #tpu.memory_space<hbm>>)
      } else {
      }
      %parallel_loop3A = arith.constant 0 : i32
      %parallel_loop3A_56 = arith.constant 128 : i32
      %parallel_loop3A_57 = arith.constant 1 : i32
      scf.for %parallel_loop3A_111 = %parallel_loop3A to %parallel_loop3A_56 step %parallel_loop3A_57  : i32 {
        %parallel_loop3A_112 = arith.constant 32 : i32
        %parallel_loop3A_113 = arith.divsi %parallel_loop3A_111, %parallel_loop3A_112 : i32
        %parallel_loop3A_114 = arith.constant 0 : i32
        %parallel_loop3A_115 = arith.cmpi sgt, %parallel_loop3A_111, %parallel_loop3A_114 : i32
        %parallel_loop3A_116 = arith.extui %parallel_loop3A_115 : i1 to i32
        %parallel_loop3A_117 = arith.constant 0 : i32
        %parallel_loop3A_118 = arith.cmpi slt, %parallel_loop3A_111, %parallel_loop3A_117 : i32
        %parallel_loop3A_119 = arith.extui %parallel_loop3A_118 : i1 to i32
        %parallel_loop3A_120 = arith.subi %parallel_loop3A_116, %parallel_loop3A_119 : i32
        %parallel_loop3A_121 = arith.constant 0 : i32
        %parallel_loop3A_122 = arith.cmpi sgt, %parallel_loop3A_112, %parallel_loop3A_121 : i32
        %parallel_loop3A_123 = arith.extui %parallel_loop3A_122 : i1 to i32
        %parallel_loop3A_124 = arith.constant 0 : i32
        %parallel_loop3A_125 = arith.cmpi slt, %parallel_loop3A_112, %parallel_loop3A_124 : i32
        %parallel_loop3A_126 = arith.extui %parallel_loop3A_125 : i1 to i32
        %parallel_loop3A_127 = arith.subi %parallel_loop3A_123, %parallel_loop3A_126 : i32
        %parallel_loop3A_128 = arith.cmpi ne, %parallel_loop3A_120, %parallel_loop3A_127 : i32
        %parallel_loop3A_129 = arith.remsi %parallel_loop3A_111, %parallel_loop3A_112 : i32
        %parallel_loop3A_130 = arith.constant 0 : i32
        %parallel_loop3A_131 = arith.cmpi ne, %parallel_loop3A_129, %parallel_loop3A_130 : i32
        %parallel_loop3A_132 = arith.andi %parallel_loop3A_128, %parallel_loop3A_131 : i1
        %parallel_loop3A_133 = arith.constant 1 : i32
        %parallel_loop3A_134 = arith.subi %parallel_loop3A_113, %parallel_loop3A_133 : i32
        %parallel_loop3A_135 = arith.select %parallel_loop3A_132, %parallel_loop3A_134, %parallel_loop3A_113 : i32
        %parallel_loop3A_136 = arith.constant 8 : i32
        %parallel_loop3A_137 = arith.divsi %parallel_loop3A_111, %parallel_loop3A_136 : i32
        %parallel_loop3A_138 = arith.constant 0 : i32
        %parallel_loop3A_139 = arith.cmpi sgt, %parallel_loop3A_111, %parallel_loop3A_138 : i32
        %parallel_loop3A_140 = arith.extui %parallel_loop3A_139 : i1 to i32
        %parallel_loop3A_141 = arith.constant 0 : i32
        %parallel_loop3A_142 = arith.cmpi slt, %parallel_loop3A_111, %parallel_loop3A_141 : i32
        %parallel_loop3A_143 = arith.extui %parallel_loop3A_142 : i1 to i32
        %parallel_loop3A_144 = arith.subi %parallel_loop3A_140, %parallel_loop3A_143 : i32
        %parallel_loop3A_145 = arith.constant 0 : i32
        %parallel_loop3A_146 = arith.cmpi sgt, %parallel_loop3A_136, %parallel_loop3A_145 : i32
        %parallel_loop3A_147 = arith.extui %parallel_loop3A_146 : i1 to i32
        %parallel_loop3A_148 = arith.constant 0 : i32
        %parallel_loop3A_149 = arith.cmpi slt, %parallel_loop3A_136, %parallel_loop3A_148 : i32
        %parallel_loop3A_150 = arith.extui %parallel_loop3A_149 : i1 to i32
        %parallel_loop3A_151 = arith.subi %parallel_loop3A_147, %parallel_loop3A_150 : i32
        %parallel_loop3A_152 = arith.cmpi ne, %parallel_loop3A_144, %parallel_loop3A_151 : i32
        %parallel_loop3A_153 = arith.remsi %parallel_loop3A_111, %parallel_loop3A_136 : i32
        %parallel_loop3A_154 = arith.constant 0 : i32
        %parallel_loop3A_155 = arith.cmpi ne, %parallel_loop3A_153, %parallel_loop3A_154 : i32
        %parallel_loop3A_156 = arith.andi %parallel_loop3A_152, %parallel_loop3A_155 : i1
        %parallel_loop3A_157 = arith.constant 1 : i32
        %parallel_loop3A_158 = arith.subi %parallel_loop3A_137, %parallel_loop3A_157 : i32
        %parallel_loop3A_159 = arith.select %parallel_loop3A_156, %parallel_loop3A_158, %parallel_loop3A_137 : i32
        %parallel_loop3A_160 = arith.constant 4 : i32
        %parallel_loop3A_161 = arith.constant 0 : i32
        %parallel_loop3A_162 = arith.cmpi eq, %parallel_loop3A_160, %parallel_loop3A_161 : i32
        %parallel_loop3A_163 = arith.constant 1 : i32
        %parallel_loop3A_164 = arith.select %parallel_loop3A_162, %parallel_loop3A_163, %parallel_loop3A_160 : i32
        %parallel_loop3A_165 = arith.remsi %parallel_loop3A_159, %parallel_loop3A_164 : i32
        %parallel_loop3A_166 = arith.constant 0 : i32
        %parallel_loop3A_167 = arith.cmpi ne, %parallel_loop3A_165, %parallel_loop3A_166 : i32
        %parallel_loop3A_168 = arith.constant 0 : i32
        %parallel_loop3A_169 = arith.cmpi slt, %parallel_loop3A_165, %parallel_loop3A_168 : i32
        %parallel_loop3A_170 = arith.constant 0 : i32
        %parallel_loop3A_171 = arith.cmpi slt, %parallel_loop3A_164, %parallel_loop3A_170 : i32
        %parallel_loop3A_172 = arith.xori %parallel_loop3A_169, %parallel_loop3A_171 : i1
        %parallel_loop3A_173 = arith.andi %parallel_loop3A_172, %parallel_loop3A_167 : i1
        %parallel_loop3A_174 = arith.addi %parallel_loop3A_165, %parallel_loop3A_164 : i32
        %parallel_loop3A_175 = arith.select %parallel_loop3A_173, %parallel_loop3A_174, %parallel_loop3A_165 : i32
        %parallel_loop3A_176 = arith.constant 8 : i32
        %parallel_loop3A_177 = arith.constant 0 : i32
        %parallel_loop3A_178 = arith.cmpi eq, %parallel_loop3A_176, %parallel_loop3A_177 : i32
        %parallel_loop3A_179 = arith.constant 1 : i32
        %parallel_loop3A_180 = arith.select %parallel_loop3A_178, %parallel_loop3A_179, %parallel_loop3A_176 : i32
        %parallel_loop3A_181 = arith.remsi %parallel_loop3A_111, %parallel_loop3A_180 : i32
        %parallel_loop3A_182 = arith.constant 0 : i32
        %parallel_loop3A_183 = arith.cmpi ne, %parallel_loop3A_181, %parallel_loop3A_182 : i32
        %parallel_loop3A_184 = arith.constant 0 : i32
        %parallel_loop3A_185 = arith.cmpi slt, %parallel_loop3A_181, %parallel_loop3A_184 : i32
        %parallel_loop3A_186 = arith.constant 0 : i32
        %parallel_loop3A_187 = arith.cmpi slt, %parallel_loop3A_180, %parallel_loop3A_186 : i32
        %parallel_loop3A_188 = arith.xori %parallel_loop3A_185, %parallel_loop3A_187 : i1
        %parallel_loop3A_189 = arith.andi %parallel_loop3A_188, %parallel_loop3A_183 : i1
        %parallel_loop3A_190 = arith.addi %parallel_loop3A_181, %parallel_loop3A_180 : i32
        %parallel_loop3A_191 = arith.select %parallel_loop3A_189, %parallel_loop3A_190, %parallel_loop3A_181 : i32
        %parallel_loop3A_192 = arith.constant 8 : i32
        %parallel_loop3A_193 = arith.muli %parallel_loop3A_135, %parallel_loop3A_192 : i32
        %parallel_loop3A_194 = arith.addi %parallel_loop3A_193, %parallel_loop3A_191 : i32
        %parallel_loop3A_195 = vector.broadcast %parallel_loop3A_194 : i32 to vector<16xi32>
        %parallel_loop3A_196 = arith.constant 128 : i32
        %parallel_loop3A_197 = arith.muli %parallel_loop3A_175, %parallel_loop3A_196 : i32
        %parallel_loop3A_198 = arith.constant 0 : i32
        %parallel_loop3A_199 = arith.addi %parallel_loop3A_197, %parallel_loop3A_198 : i32
        %parallel_loop3A_200 = vector.broadcast %parallel_loop3A_199 : i32 to vector<16xi32>
        %parallel_loop3A_201 = arith.addi %parallel_loop3A_200, %iota3A : vector<16xi32>
        %parallel_loop3A_202 = tpu.vector_load_idx %arg6[%parallel_loop3A_201, %parallel_loop3A_195] : memref<512x32xf32, #tpu.memory_space<vmem>>[vector<16xi32>, vector<16xi32>], vector<16xf32>,
        %parallel_loop3A_203 = arith.index_cast %parallel_loop3A_135 : i32 to index
        %parallel_loop3A_204 = arith.index_cast %parallel_loop3A_175 : i32 to index
        %parallel_loop3A_205 = arith.index_cast %parallel_loop3A_191 : i32 to index
        %parallel_loop3A_206 = arith.constant 0 : index
        %parallel_loop3A_207 = tpu.vector_load %arg8[%parallel_loop3A_203, %parallel_loop3A_204, %parallel_loop3A_205, %parallel_loop3A_206] {strides = array<i32>} : memref<4x4x8x128xf32, #tpu.memory_space<vmem>>, vector<16xf32>,
        tpu.vector_store %arg8[%parallel_loop3A_203, %parallel_loop3A_204, %parallel_loop3A_205, %parallel_loop3A_206], %parallel_loop3A_202 {strides = array<i32>} : memref<4x4x8x128xf32, #tpu.memory_space<vmem>>, vector<16xf32>,
        %parallel_loop3A_208 = arith.constant 128 : i32
        %parallel_loop3A_209 = arith.muli %parallel_loop3A_175, %parallel_loop3A_208 : i32
        %parallel_loop3A_210 = arith.constant 16 : i32
        %parallel_loop3A_211 = arith.addi %parallel_loop3A_209, %parallel_loop3A_210 : i32
        %parallel_loop3A_212 = vector.broadcast %parallel_loop3A_211 : i32 to vector<16xi32>
        %parallel_loop3A_213 = arith.addi %parallel_loop3A_212, %iota3A : vector<16xi32>
        %parallel_loop3A_214 = tpu.vector_load_idx %arg6[%parallel_loop3A_213, %parallel_loop3A_195] : memref<512x32xf32, #tpu.memory_space<vmem>>[vector<16xi32>, vector<16xi32>], vector<16xf32>,
        %parallel_loop3A_215 = arith.index_cast %parallel_loop3A_135 : i32 to index
        %parallel_loop3A_216 = arith.index_cast %parallel_loop3A_175 : i32 to index
        %parallel_loop3A_217 = arith.index_cast %parallel_loop3A_191 : i32 to index
        %parallel_loop3A_218 = arith.constant 16 : index
        %parallel_loop3A_219 = tpu.vector_load %arg8[%parallel_loop3A_215, %parallel_loop3A_216, %parallel_loop3A_217, %parallel_loop3A_218] {strides = array<i32>} : memref<4x4x8x128xf32, #tpu.memory_space<vmem>>, vector<16xf32>,
        tpu.vector_store %arg8[%parallel_loop3A_215, %parallel_loop3A_216, %parallel_loop3A_217, %parallel_loop3A_218], %parallel_loop3A_214 {strides = array<i32>} : memref<4x4x8x128xf32, #tpu.memory_space<vmem>>, vector<16xf32>,
        %parallel_loop3A_220 = arith.constant 128 : i32
        %parallel_loop3A_221 = arith.muli %parallel_loop3A_175, %parallel_loop3A_220 : i32
        %parallel_loop3A_222 = arith.constant 32 : i32
        %parallel_loop3A_223 = arith.addi %parallel_loop3A_221, %parallel_loop3A_222 : i32
        %parallel_loop3A_224 = vector.broadcast %parallel_loop3A_223 : i32 to vector<16xi32>
        %parallel_loop3A_225 = arith.addi %parallel_loop3A_224, %iota3A : vector<16xi32>
        %parallel_loop3A_226 = tpu.vector_load_idx %arg6[%parallel_loop3A_225, %parallel_loop3A_195] : memref<512x32xf32, #tpu.memory_space<vmem>>[vector<16xi32>, vector<16xi32>], vector<16xf32>,
        %parallel_loop3A_227 = arith.index_cast %parallel_loop3A_135 : i32 to index
        %parallel_loop3A_228 = arith.index_cast %parallel_loop3A_175 : i32 to index
        %parallel_loop3A_229 = arith.index_cast %parallel_loop3A_191 : i32 to index
        %parallel_loop3A_230 = arith.constant 32 : index
        %parallel_loop3A_231 = tpu.vector_load %arg8[%parallel_loop3A_227, %parallel_loop3A_228, %parallel_loop3A_229, %parallel_loop3A_230] {strides = array<i32>} : memref<4x4x8x128xf32, #tpu.memory_space<vmem>>, vector<16xf32>,
        tpu.vector_store %arg8[%parallel_loop3A_227, %parallel_loop3A_228, %parallel_loop3A_229, %parallel_loop3A_230], %parallel_loop3A_226 {strides = array<i32>} : memref<4x4x8x128xf32, #tpu.memory_space<vmem>>, vector<16xf32>,
        %parallel_loop3A_232 = arith.constant 128 : i32
        %parallel_loop3A_233 = arith.muli %parallel_loop3A_175, %parallel_loop3A_232 : i32
        %parallel_loop3A_234 = arith.constant 48 : i32
        %parallel_loop3A_235 = arith.addi %parallel_loop3A_233, %parallel_loop3A_234 : i32
        %parallel_loop3A_236 = vector.broadcast %parallel_loop3A_235 : i32 to vector<16xi32>
        %parallel_loop3A_237 = arith.addi %parallel_loop3A_236, %iota3A : vector<16xi32>
        %parallel_loop3A_238 = tpu.vector_load_idx %arg6[%parallel_loop3A_237, %parallel_loop3A_195] : memref<512x32xf32, #tpu.memory_space<vmem>>[vector<16xi32>, vector<16xi32>], vector<16xf32>,
        %parallel_loop3A_239 = arith.index_cast %parallel_loop3A_135 : i32 to index
        %parallel_loop3A_240 = arith.index_cast %parallel_loop3A_175 : i32 to index
        %parallel_loop3A_241 = arith.index_cast %parallel_loop3A_191 : i32 to index
        %parallel_loop3A_242 = arith.constant 48 : index
        %parallel_loop3A_243 = tpu.vector_load %arg8[%parallel_loop3A_239, %parallel_loop3A_240, %parallel_loop3A_241, %parallel_loop3A_242] {strides = array<i32>} : memref<4x4x8x128xf32, #tpu.memory_space<vmem>>, vector<16xf32>,
        tpu.vector_store %arg8[%parallel_loop3A_239, %parallel_loop3A_240, %parallel_loop3A_241, %parallel_loop3A_242], %parallel_loop3A_238 {strides = array<i32>} : memref<4x4x8x128xf32, #tpu.memory_space<vmem>>, vector<16xf32>,
        %parallel_loop3A_244 = arith.constant 128 : i32
        %parallel_loop3A_245 = arith.muli %parallel_loop3A_175, %parallel_loop3A_244 : i32
        %parallel_loop3A_246 = arith.constant 64 : i32
        %parallel_loop3A_247 = arith.addi %parallel_loop3A_245, %parallel_loop3A_246 : i32
        %parallel_loop3A_248 = vector.broadcast %parallel_loop3A_247 : i32 to vector<16xi32>
        %parallel_loop3A_249 = arith.addi %parallel_loop3A_248, %iota3A : vector<16xi32>
        %parallel_loop3A_250 = tpu.vector_load_idx %arg6[%parallel_loop3A_249, %parallel_loop3A_195] : memref<512x32xf32, #tpu.memory_space<vmem>>[vector<16xi32>, vector<16xi32>], vector<16xf32>,
        %parallel_loop3A_251 = arith.index_cast %parallel_loop3A_135 : i32 to index
        %parallel_loop3A_252 = arith.index_cast %parallel_loop3A_175 : i32 to index
        %parallel_loop3A_253 = arith.index_cast %parallel_loop3A_191 : i32 to index
        %parallel_loop3A_254 = arith.constant 64 : index
        %parallel_loop3A_255 = tpu.vector_load %arg8[%parallel_loop3A_251, %parallel_loop3A_252, %parallel_loop3A_253, %parallel_loop3A_254] {strides = array<i32>} : memref<4x4x8x128xf32, #tpu.memory_space<vmem>>, vector<16xf32>,
        tpu.vector_store %arg8[%parallel_loop3A_251, %parallel_loop3A_252, %parallel_loop3A_253, %parallel_loop3A_254], %parallel_loop3A_250 {strides = array<i32>} : memref<4x4x8x128xf32, #tpu.memory_space<vmem>>, vector<16xf32>,
        %parallel_loop3A_256 = arith.constant 128 : i32
        %parallel_loop3A_257 = arith.muli %parallel_loop3A_175, %parallel_loop3A_256 : i32
        %parallel_loop3A_258 = arith.constant 80 : i32
        %parallel_loop3A_259 = arith.addi %parallel_loop3A_257, %parallel_loop3A_258 : i32
        %parallel_loop3A_260 = vector.broadcast %parallel_loop3A_259 : i32 to vector<16xi32>
        %parallel_loop3A_261 = arith.addi %parallel_loop3A_260, %iota3A : vector<16xi32>
        %parallel_loop3A_262 = tpu.vector_load_idx %arg6[%parallel_loop3A_261, %parallel_loop3A_195] : memref<512x32xf32, #tpu.memory_space<vmem>>[vector<16xi32>, vector<16xi32>], vector<16xf32>,
        %parallel_loop3A_263 = arith.index_cast %parallel_loop3A_135 : i32 to index
        %parallel_loop3A_264 = arith.index_cast %parallel_loop3A_175 : i32 to index
        %parallel_loop3A_265 = arith.index_cast %parallel_loop3A_191 : i32 to index
        %parallel_loop3A_266 = arith.constant 80 : index
        %parallel_loop3A_267 = tpu.vector_load %arg8[%parallel_loop3A_263, %parallel_loop3A_264, %parallel_loop3A_265, %parallel_loop3A_266] {strides = array<i32>} : memref<4x4x8x128xf32, #tpu.memory_space<vmem>>, vector<16xf32>,
        tpu.vector_store %arg8[%parallel_loop3A_263, %parallel_loop3A_264, %parallel_loop3A_265, %parallel_loop3A_266], %parallel_loop3A_262 {strides = array<i32>} : memref<4x4x8x128xf32, #tpu.memory_space<vmem>>, vector<16xf32>,
        %parallel_loop3A_268 = arith.constant 128 : i32
        %parallel_loop3A_269 = arith.muli %parallel_loop3A_175, %parallel_loop3A_268 : i32
        %parallel_loop3A_270 = arith.constant 96 : i32
        %parallel_loop3A_271 = arith.addi %parallel_loop3A_269, %parallel_loop3A_270 : i32
        %parallel_loop3A_272 = vector.broadcast %parallel_loop3A_271 : i32 to vector<16xi32>
        %parallel_loop3A_273 = arith.addi %parallel_loop3A_272, %iota3A : vector<16xi32>
        %parallel_loop3A_274 = tpu.vector_load_idx %arg6[%parallel_loop3A_273, %parallel_loop3A_195] : memref<512x32xf32, #tpu.memory_space<vmem>>[vector<16xi32>, vector<16xi32>], vector<16xf32>,
        %parallel_loop3A_275 = arith.index_cast %parallel_loop3A_135 : i32 to index
        %parallel_loop3A_276 = arith.index_cast %parallel_loop3A_175 : i32 to index
        %parallel_loop3A_277 = arith.index_cast %parallel_loop3A_191 : i32 to index
        %parallel_loop3A_278 = arith.constant 96 : index
        %parallel_loop3A_279 = tpu.vector_load %arg8[%parallel_loop3A_275, %parallel_loop3A_276, %parallel_loop3A_277, %parallel_loop3A_278] {strides = array<i32>} : memref<4x4x8x128xf32, #tpu.memory_space<vmem>>, vector<16xf32>,
        tpu.vector_store %arg8[%parallel_loop3A_275, %parallel_loop3A_276, %parallel_loop3A_277, %parallel_loop3A_278], %parallel_loop3A_274 {strides = array<i32>} : memref<4x4x8x128xf32, #tpu.memory_space<vmem>>, vector<16xf32>,
        %parallel_loop3A_280 = arith.constant 128 : i32
        %parallel_loop3A_281 = arith.muli %parallel_loop3A_175, %parallel_loop3A_280 : i32
        %parallel_loop3A_282 = arith.constant 112 : i32
        %parallel_loop3A_283 = arith.addi %parallel_loop3A_281, %parallel_loop3A_282 : i32
        %parallel_loop3A_284 = vector.broadcast %parallel_loop3A_283 : i32 to vector<16xi32>
        %parallel_loop3A_285 = arith.addi %parallel_loop3A_284, %iota3A : vector<16xi32>
        %parallel_loop3A_286 = tpu.vector_load_idx %arg6[%parallel_loop3A_285, %parallel_loop3A_195] : memref<512x32xf32, #tpu.memory_space<vmem>>[vector<16xi32>, vector<16xi32>], vector<16xf32>,
        %parallel_loop3A_287 = arith.index_cast %parallel_loop3A_135 : i32 to index
        %parallel_loop3A_288 = arith.index_cast %parallel_loop3A_175 : i32 to index
        %parallel_loop3A_289 = arith.index_cast %parallel_loop3A_191 : i32 to index
        %parallel_loop3A_290 = arith.constant 112 : index
        %parallel_loop3A_291 = tpu.vector_load %arg8[%parallel_loop3A_287, %parallel_loop3A_288, %parallel_loop3A_289, %parallel_loop3A_290] {strides = array<i32>} : memref<4x4x8x128xf32, #tpu.memory_space<vmem>>, vector<16xf32>,
        tpu.vector_store %arg8[%parallel_loop3A_287, %parallel_loop3A_288, %parallel_loop3A_289, %parallel_loop3A_290], %parallel_loop3A_286 {strides = array<i32>} : memref<4x4x8x128xf32, #tpu.memory_space<vmem>>, vector<16xf32>,
      } {sc.loop_unroll_factor = 8 : i64, sc.parallel_access}
      %mul3A_58 = arith.constant 4 : i32
      %mul3A_59 = arith.muli %mul3A_58, %add3A : i32
      %dma_start3A_60 = arith.constant 0 : i32
      %dma_start3A_61 = arith.constant 0 : i32
      %dma_start3A_62 = arith.constant 0 : i32
      %dma_start3A_63 = tpu.memref_slice %arg4[%add3A_47, %dma_start3A_60, %mul3A_59, %dma_start3A_61, %dma_start3A_62] : memref<50x4x128x8x128xf32, #tpu.memory_space<hbm>> -> memref<1x4x4x8x128xf32, #tpu.memory_space<hbm>>
      %dma_start3A_64 = tpu.memref_squeeze %dma_start3A_63 : memref<1x4x4x8x128xf32, #tpu.memory_space<hbm>> -> memref<4x4x8x128xf32, #tpu.memory_space<hbm>>
      %dma_start3A_65 = arith.constant 0 : i32
      %dma_start3A_66 = arith.constant 0 : i32
      %dma_start3A_67 = arith.constant 0 : i32
      %dma_start3A_68 = tpu.memref_slice %arg4[%add3A_47, %dma_start3A_65, %mul3A_59, %dma_start3A_66, %dma_start3A_67] : memref<50x4x128x8x128xf32, #tpu.memory_space<hbm>> -> memref<1x4x4x8x128xf32, #tpu.memory_space<hbm>>
      %dma_start3A_69 = tpu.memref_squeeze %dma_start3A_68 : memref<1x4x4x8x128xf32, #tpu.memory_space<hbm>> -> memref<4x4x8x128xf32, #tpu.memory_space<hbm>>
      tpu.enqueue_dma source(%arg8 : memref<4x4x8x128xf32, #tpu.memory_space<vmem>>) target(%dma_start3A_69 : memref<4x4x8x128xf32, #tpu.memory_space<hbm>>) target_semaphore(%arg12 : memref<!tpu.dma_semaphore, #tpu.memory_space<semaphore_mem>>)
      %add3A_70 = arith.constant 2 : i32
      %add3A_71 = arith.addi %add3A_47, %add3A_70 : i32
      %lt3A = arith.constant 50 : i32
      %lt3A_72 = arith.cmpi slt, %add3A_71, %lt3A : i32
      %convert_element_type3A_73 = arith.extui %lt3A_72 : i1 to i32
      %cond3A_74 = arith.constant 0 : i32
      %cond3A_75 = arith.cmpi ne, %convert_element_type3A_73, %cond3A_74 : i32
      scf.if %cond3A_75 {
        %dma_start3A_111 = arith.constant 0 : i32
        %dma_start3A_112 = tpu.memref_slice %arg5[%add3A_71, %dma_start3A_111] : memref<50x512xi32, #tpu.memory_space<vmem>> -> memref<1x512xi32, #tpu.memory_space<vmem>>
        %dma_start3A_113 = tpu.memref_squeeze %dma_start3A_112 : memref<1x512xi32, #tpu.memory_space<vmem>> -> memref<512xi32, #tpu.memory_space<vmem>>
        %dma_start3A_114 = arith.constant 0 : i32
        %dma_start3A_115 = arith.constant 0 : i32
        %dma_start3A_116 = tpu.memref_slice %arg2[%dma_start3A_114, %dma_start3A_115] : memref<1000000x32xf32, #tpu.memory_space<hbm>> -> memref<1000000x32xf32, #tpu.memory_space<hbm>>
        tpu.enqueue_indirect_dma source(%dma_start3A_116 : memref<1000000x32xf32, #tpu.memory_space<hbm>>) target(%arg6 : memref<512x32xf32, #tpu.memory_space<vmem>>) offsets(%dma_start3A_113 : memref<512xi32, #tpu.memory_space<vmem>>) semaphore(%arg10 : memref<!tpu.dma_semaphore, #tpu.memory_space<semaphore_mem>>)
      } else {
      }
      %add3A_76 = arith.constant 1 : i32
      %add3A_77 = arith.addi %add3A_47, %add3A_76 : i32
      %dma_wait3A_78 = arith.constant 0 : i32
      %dma_wait3A_79 = tpu.memref_slice %arg5[%add3A_77, %dma_wait3A_78] : memref<50x512xi32, #tpu.memory_space<vmem>> -> memref<1x512xi32, #tpu.memory_space<vmem>>
      %dma_wait3A_80 = tpu.memref_squeeze %dma_wait3A_79 : memref<1x512xi32, #tpu.memory_space<vmem>> -> memref<512xi32, #tpu.memory_space<vmem>>
      %dma_wait3A_81 = arith.constant 0 : i32
      %dma_wait3A_82 = arith.constant 0 : i32
      %dma_wait3A_83 = tpu.memref_slice %arg2[%dma_wait3A_81, %dma_wait3A_82] : memref<1000000x32xf32, #tpu.memory_space<hbm>> -> memref<1000000x32xf32, #tpu.memory_space<hbm>>
      tpu.wait_indirect_dma semaphore(%arg11 : memref<!tpu.dma_semaphore, #tpu.memory_space<semaphore_mem>>) src(%dma_wait3A_83 : memref<1000000x32xf32, #tpu.memory_space<hbm>>) dst(%arg7 : memref<512x32xf32, #tpu.memory_space<vmem>>)
      %ge3A_84 = arith.constant 2 : i32
      %ge3A_85 = arith.cmpi sge, %add3A_77, %ge3A_84 : i32
      %convert_element_type3A_86 = arith.extui %ge3A_85 : i1 to i32
      %cond3A_87 = arith.constant 0 : i32
      %cond3A_88 = arith.cmpi ne, %convert_element_type3A_86, %cond3A_87 : i32
      scf.if %cond3A_88 {
        %sub3A = arith.constant 2 : i32
        %sub3A_111 = arith.subi %add3A_77, %sub3A : i32
        %mul3A_112 = arith.constant 4 : i32
        %mul3A_113 = arith.muli %mul3A_112, %add3A : i32
        %dma_wait3A_114 = arith.constant 0 : i32
        %dma_wait3A_115 = arith.constant 0 : i32
        %dma_wait3A_116 = arith.constant 0 : i32
        %dma_wait3A_117 = tpu.memref_slice %arg4[%sub3A_111, %dma_wait3A_114, %mul3A_113, %dma_wait3A_115, %dma_wait3A_116] : memref<50x4x128x8x128xf32, #tpu.memory_space<hbm>> -> memref<1x4x4x8x128xf32, #tpu.memory_space<hbm>>
        %dma_wait3A_118 = tpu.memref_squeeze %dma_wait3A_117 : memref<1x4x4x8x128xf32, #tpu.memory_space<hbm>> -> memref<4x4x8x128xf32, #tpu.memory_space<hbm>>
        %dma_wait3A_119 = arith.constant 0 : i32
        %dma_wait3A_120 = arith.constant 0 : i32
        %dma_wait3A_121 = arith.constant 0 : i32
        %dma_wait3A_122 = tpu.memref_slice %arg4[%sub3A_111, %dma_wait3A_119, %mul3A_113, %dma_wait3A_120, %dma_wait3A_121] : memref<50x4x128x8x128xf32, #tpu.memory_space<hbm>> -> memref<1x4x4x8x128xf32, #tpu.memory_space<hbm>>
        %dma_wait3A_123 = tpu.memref_squeeze %dma_wait3A_122 : memref<1x4x4x8x128xf32, #tpu.memory_space<hbm>> -> memref<4x4x8x128xf32, #tpu.memory_space<hbm>>
        tpu.wait_dma2 semaphore(%arg13 : memref<!tpu.dma_semaphore, #tpu.memory_space<semaphore_mem>>) src(%arg9 : memref<4x4x8x128xf32, #tpu.memory_space<vmem>>) dst(%dma_wait3A_123 : memref<4x4x8x128xf32, #tpu.memory_space<hbm>>)
      } else {
      }
      %parallel_loop3A_89 = arith.constant 0 : i32
      %parallel_loop3A_90 = arith.constant 128 : i32
      %parallel_loop3A_91 = arith.constant 1 : i32
      scf.for %parallel_loop3A_111 = %parallel_loop3A_89 to %parallel_loop3A_90 step %parallel_loop3A_91  : i32 {
        %parallel_loop3A_112 = arith.constant 32 : i32
        %parallel_loop3A_113 = arith.divsi %parallel_loop3A_111, %parallel_loop3A_112 : i32
        %parallel_loop3A_114 = arith.constant 0 : i32
        %parallel_loop3A_115 = arith.cmpi sgt, %parallel_loop3A_111, %parallel_loop3A_114 : i32
        %parallel_loop3A_116 = arith.extui %parallel_loop3A_115 : i1 to i32
        %parallel_loop3A_117 = arith.constant 0 : i32
        %parallel_loop3A_118 = arith.cmpi slt, %parallel_loop3A_111, %parallel_loop3A_117 : i32
        %parallel_loop3A_119 = arith.extui %parallel_loop3A_118 : i1 to i32
        %parallel_loop3A_120 = arith.subi %parallel_loop3A_116, %parallel_loop3A_119 : i32
        %parallel_loop3A_121 = arith.constant 0 : i32
        %parallel_loop3A_122 = arith.cmpi sgt, %parallel_loop3A_112, %parallel_loop3A_121 : i32
        %parallel_loop3A_123 = arith.extui %parallel_loop3A_122 : i1 to i32
        %parallel_loop3A_124 = arith.constant 0 : i32
        %parallel_loop3A_125 = arith.cmpi slt, %parallel_loop3A_112, %parallel_loop3A_124 : i32
        %parallel_loop3A_126 = arith.extui %parallel_loop3A_125 : i1 to i32
        %parallel_loop3A_127 = arith.subi %parallel_loop3A_123, %parallel_loop3A_126 : i32
        %parallel_loop3A_128 = arith.cmpi ne, %parallel_loop3A_120, %parallel_loop3A_127 : i32
        %parallel_loop3A_129 = arith.remsi %parallel_loop3A_111, %parallel_loop3A_112 : i32
        %parallel_loop3A_130 = arith.constant 0 : i32
        %parallel_loop3A_131 = arith.cmpi ne, %parallel_loop3A_129, %parallel_loop3A_130 : i32
        %parallel_loop3A_132 = arith.andi %parallel_loop3A_128, %parallel_loop3A_131 : i1
        %parallel_loop3A_133 = arith.constant 1 : i32
        %parallel_loop3A_134 = arith.subi %parallel_loop3A_113, %parallel_loop3A_133 : i32
        %parallel_loop3A_135 = arith.select %parallel_loop3A_132, %parallel_loop3A_134, %parallel_loop3A_113 : i32
        %parallel_loop3A_136 = arith.constant 8 : i32
        %parallel_loop3A_137 = arith.divsi %parallel_loop3A_111, %parallel_loop3A_136 : i32
        %parallel_loop3A_138 = arith.constant 0 : i32
        %parallel_loop3A_139 = arith.cmpi sgt, %parallel_loop3A_111, %parallel_loop3A_138 : i32
        %parallel_loop3A_140 = arith.extui %parallel_loop3A_139 : i1 to i32
        %parallel_loop3A_141 = arith.constant 0 : i32
        %parallel_loop3A_142 = arith.cmpi slt, %parallel_loop3A_111, %parallel_loop3A_141 : i32
        %parallel_loop3A_143 = arith.extui %parallel_loop3A_142 : i1 to i32
        %parallel_loop3A_144 = arith.subi %parallel_loop3A_140, %parallel_loop3A_143 : i32
        %parallel_loop3A_145 = arith.constant 0 : i32
        %parallel_loop3A_146 = arith.cmpi sgt, %parallel_loop3A_136, %parallel_loop3A_145 : i32
        %parallel_loop3A_147 = arith.extui %parallel_loop3A_146 : i1 to i32
        %parallel_loop3A_148 = arith.constant 0 : i32
        %parallel_loop3A_149 = arith.cmpi slt, %parallel_loop3A_136, %parallel_loop3A_148 : i32
        %parallel_loop3A_150 = arith.extui %parallel_loop3A_149 : i1 to i32
        %parallel_loop3A_151 = arith.subi %parallel_loop3A_147, %parallel_loop3A_150 : i32
        %parallel_loop3A_152 = arith.cmpi ne, %parallel_loop3A_144, %parallel_loop3A_151 : i32
        %parallel_loop3A_153 = arith.remsi %parallel_loop3A_111, %parallel_loop3A_136 : i32
        %parallel_loop3A_154 = arith.constant 0 : i32
        %parallel_loop3A_155 = arith.cmpi ne, %parallel_loop3A_153, %parallel_loop3A_154 : i32
        %parallel_loop3A_156 = arith.andi %parallel_loop3A_152, %parallel_loop3A_155 : i1
        %parallel_loop3A_157 = arith.constant 1 : i32
        %parallel_loop3A_158 = arith.subi %parallel_loop3A_137, %parallel_loop3A_157 : i32
        %parallel_loop3A_159 = arith.select %parallel_loop3A_156, %parallel_loop3A_158, %parallel_loop3A_137 : i32
        %parallel_loop3A_160 = arith.constant 4 : i32
        %parallel_loop3A_161 = arith.constant 0 : i32
        %parallel_loop3A_162 = arith.cmpi eq, %parallel_loop3A_160, %parallel_loop3A_161 : i32
        %parallel_loop3A_163 = arith.constant 1 : i32
        %parallel_loop3A_164 = arith.select %parallel_loop3A_162, %parallel_loop3A_163, %parallel_loop3A_160 : i32
        %parallel_loop3A_165 = arith.remsi %parallel_loop3A_159, %parallel_loop3A_164 : i32
        %parallel_loop3A_166 = arith.constant 0 : i32
        %parallel_loop3A_167 = arith.cmpi ne, %parallel_loop3A_165, %parallel_loop3A_166 : i32
        %parallel_loop3A_168 = arith.constant 0 : i32
        %parallel_loop3A_169 = arith.cmpi slt, %parallel_loop3A_165, %parallel_loop3A_168 : i32
        %parallel_loop3A_170 = arith.constant 0 : i32
        %parallel_loop3A_171 = arith.cmpi slt, %parallel_loop3A_164, %parallel_loop3A_170 : i32
        %parallel_loop3A_172 = arith.xori %parallel_loop3A_169, %parallel_loop3A_171 : i1
        %parallel_loop3A_173 = arith.andi %parallel_loop3A_172, %parallel_loop3A_167 : i1
        %parallel_loop3A_174 = arith.addi %parallel_loop3A_165, %parallel_loop3A_164 : i32
        %parallel_loop3A_175 = arith.select %parallel_loop3A_173, %parallel_loop3A_174, %parallel_loop3A_165 : i32
        %parallel_loop3A_176 = arith.constant 8 : i32
        %parallel_loop3A_177 = arith.constant 0 : i32
        %parallel_loop3A_178 = arith.cmpi eq, %parallel_loop3A_176, %parallel_loop3A_177 : i32
        %parallel_loop3A_179 = arith.constant 1 : i32
        %parallel_loop3A_180 = arith.select %parallel_loop3A_178, %parallel_loop3A_179, %parallel_loop3A_176 : i32
        %parallel_loop3A_181 = arith.remsi %parallel_loop3A_111, %parallel_loop3A_180 : i32
        %parallel_loop3A_182 = arith.constant 0 : i32
        %parallel_loop3A_183 = arith.cmpi ne, %parallel_loop3A_181, %parallel_loop3A_182 : i32
        %parallel_loop3A_184 = arith.constant 0 : i32
        %parallel_loop3A_185 = arith.cmpi slt, %parallel_loop3A_181, %parallel_loop3A_184 : i32
        %parallel_loop3A_186 = arith.constant 0 : i32
        %parallel_loop3A_187 = arith.cmpi slt, %parallel_loop3A_180, %parallel_loop3A_186 : i32
        %parallel_loop3A_188 = arith.xori %parallel_loop3A_185, %parallel_loop3A_187 : i1
        %parallel_loop3A_189 = arith.andi %parallel_loop3A_188, %parallel_loop3A_183 : i1
        %parallel_loop3A_190 = arith.addi %parallel_loop3A_181, %parallel_loop3A_180 : i32
        %parallel_loop3A_191 = arith.select %parallel_loop3A_189, %parallel_loop3A_190, %parallel_loop3A_181 : i32
        %parallel_loop3A_192 = arith.constant 8 : i32
        %parallel_loop3A_193 = arith.muli %parallel_loop3A_135, %parallel_loop3A_192 : i32
        %parallel_loop3A_194 = arith.addi %parallel_loop3A_193, %parallel_loop3A_191 : i32
        %parallel_loop3A_195 = vector.broadcast %parallel_loop3A_194 : i32 to vector<16xi32>
        %parallel_loop3A_196 = arith.constant 128 : i32
        %parallel_loop3A_197 = arith.muli %parallel_loop3A_175, %parallel_loop3A_196 : i32
        %parallel_loop3A_198 = arith.constant 0 : i32
        %parallel_loop3A_199 = arith.addi %parallel_loop3A_197, %parallel_loop3A_198 : i32
        %parallel_loop3A_200 = vector.broadcast %parallel_loop3A_199 : i32 to vector<16xi32>
        %parallel_loop3A_201 = arith.addi %parallel_loop3A_200, %iota3A : vector<16xi32>
        %parallel_loop3A_202 = tpu.vector_load_idx %arg7[%parallel_loop3A_201, %parallel_loop3A_195] : memref<512x32xf32, #tpu.memory_space<vmem>>[vector<16xi32>, vector<16xi32>], vector<16xf32>,
        %parallel_loop3A_203 = arith.index_cast %parallel_loop3A_135 : i32 to index
        %parallel_loop3A_204 = arith.index_cast %parallel_loop3A_175 : i32 to index
        %parallel_loop3A_205 = arith.index_cast %parallel_loop3A_191 : i32 to index
        %parallel_loop3A_206 = arith.constant 0 : index
        %parallel_loop3A_207 = tpu.vector_load %arg9[%parallel_loop3A_203, %parallel_loop3A_204, %parallel_loop3A_205, %parallel_loop3A_206] {strides = array<i32>} : memref<4x4x8x128xf32, #tpu.memory_space<vmem>>, vector<16xf32>,
        tpu.vector_store %arg9[%parallel_loop3A_203, %parallel_loop3A_204, %parallel_loop3A_205, %parallel_loop3A_206], %parallel_loop3A_202 {strides = array<i32>} : memref<4x4x8x128xf32, #tpu.memory_space<vmem>>, vector<16xf32>,
        %parallel_loop3A_208 = arith.constant 128 : i32
        %parallel_loop3A_209 = arith.muli %parallel_loop3A_175, %parallel_loop3A_208 : i32
        %parallel_loop3A_210 = arith.constant 16 : i32
        %parallel_loop3A_211 = arith.addi %parallel_loop3A_209, %parallel_loop3A_210 : i32
        %parallel_loop3A_212 = vector.broadcast %parallel_loop3A_211 : i32 to vector<16xi32>
        %parallel_loop3A_213 = arith.addi %parallel_loop3A_212, %iota3A : vector<16xi32>
        %parallel_loop3A_214 = tpu.vector_load_idx %arg7[%parallel_loop3A_213, %parallel_loop3A_195] : memref<512x32xf32, #tpu.memory_space<vmem>>[vector<16xi32>, vector<16xi32>], vector<16xf32>,
        %parallel_loop3A_215 = arith.index_cast %parallel_loop3A_135 : i32 to index
        %parallel_loop3A_216 = arith.index_cast %parallel_loop3A_175 : i32 to index
        %parallel_loop3A_217 = arith.index_cast %parallel_loop3A_191 : i32 to index
        %parallel_loop3A_218 = arith.constant 16 : index
        %parallel_loop3A_219 = tpu.vector_load %arg9[%parallel_loop3A_215, %parallel_loop3A_216, %parallel_loop3A_217, %parallel_loop3A_218] {strides = array<i32>} : memref<4x4x8x128xf32, #tpu.memory_space<vmem>>, vector<16xf32>,
        tpu.vector_store %arg9[%parallel_loop3A_215, %parallel_loop3A_216, %parallel_loop3A_217, %parallel_loop3A_218], %parallel_loop3A_214 {strides = array<i32>} : memref<4x4x8x128xf32, #tpu.memory_space<vmem>>, vector<16xf32>,
        %parallel_loop3A_220 = arith.constant 128 : i32
        %parallel_loop3A_221 = arith.muli %parallel_loop3A_175, %parallel_loop3A_220 : i32
        %parallel_loop3A_222 = arith.constant 32 : i32
        %parallel_loop3A_223 = arith.addi %parallel_loop3A_221, %parallel_loop3A_222 : i32
        %parallel_loop3A_224 = vector.broadcast %parallel_loop3A_223 : i32 to vector<16xi32>
        %parallel_loop3A_225 = arith.addi %parallel_loop3A_224, %iota3A : vector<16xi32>
        %parallel_loop3A_226 = tpu.vector_load_idx %arg7[%parallel_loop3A_225, %parallel_loop3A_195] : memref<512x32xf32, #tpu.memory_space<vmem>>[vector<16xi32>, vector<16xi32>], vector<16xf32>,
        %parallel_loop3A_227 = arith.index_cast %parallel_loop3A_135 : i32 to index
        %parallel_loop3A_228 = arith.index_cast %parallel_loop3A_175 : i32 to index
        %parallel_loop3A_229 = arith.index_cast %parallel_loop3A_191 : i32 to index
        %parallel_loop3A_230 = arith.constant 32 : index
        %parallel_loop3A_231 = tpu.vector_load %arg9[%parallel_loop3A_227, %parallel_loop3A_228, %parallel_loop3A_229, %parallel_loop3A_230] {strides = array<i32>} : memref<4x4x8x128xf32, #tpu.memory_space<vmem>>, vector<16xf32>,
        tpu.vector_store %arg9[%parallel_loop3A_227, %parallel_loop3A_228, %parallel_loop3A_229, %parallel_loop3A_230], %parallel_loop3A_226 {strides = array<i32>} : memref<4x4x8x128xf32, #tpu.memory_space<vmem>>, vector<16xf32>,
        %parallel_loop3A_232 = arith.constant 128 : i32
        %parallel_loop3A_233 = arith.muli %parallel_loop3A_175, %parallel_loop3A_232 : i32
        %parallel_loop3A_234 = arith.constant 48 : i32
        %parallel_loop3A_235 = arith.addi %parallel_loop3A_233, %parallel_loop3A_234 : i32
        %parallel_loop3A_236 = vector.broadcast %parallel_loop3A_235 : i32 to vector<16xi32>
        %parallel_loop3A_237 = arith.addi %parallel_loop3A_236, %iota3A : vector<16xi32>
        %parallel_loop3A_238 = tpu.vector_load_idx %arg7[%parallel_loop3A_237, %parallel_loop3A_195] : memref<512x32xf32, #tpu.memory_space<vmem>>[vector<16xi32>, vector<16xi32>], vector<16xf32>,
        %parallel_loop3A_239 = arith.index_cast %parallel_loop3A_135 : i32 to index
        %parallel_loop3A_240 = arith.index_cast %parallel_loop3A_175 : i32 to index
        %parallel_loop3A_241 = arith.index_cast %parallel_loop3A_191 : i32 to index
        %parallel_loop3A_242 = arith.constant 48 : index
        %parallel_loop3A_243 = tpu.vector_load %arg9[%parallel_loop3A_239, %parallel_loop3A_240, %parallel_loop3A_241, %parallel_loop3A_242] {strides = array<i32>} : memref<4x4x8x128xf32, #tpu.memory_space<vmem>>, vector<16xf32>,
        tpu.vector_store %arg9[%parallel_loop3A_239, %parallel_loop3A_240, %parallel_loop3A_241, %parallel_loop3A_242], %parallel_loop3A_238 {strides = array<i32>} : memref<4x4x8x128xf32, #tpu.memory_space<vmem>>, vector<16xf32>,
        %parallel_loop3A_244 = arith.constant 128 : i32
        %parallel_loop3A_245 = arith.muli %parallel_loop3A_175, %parallel_loop3A_244 : i32
        %parallel_loop3A_246 = arith.constant 64 : i32
        %parallel_loop3A_247 = arith.addi %parallel_loop3A_245, %parallel_loop3A_246 : i32
        %parallel_loop3A_248 = vector.broadcast %parallel_loop3A_247 : i32 to vector<16xi32>
        %parallel_loop3A_249 = arith.addi %parallel_loop3A_248, %iota3A : vector<16xi32>
        %parallel_loop3A_250 = tpu.vector_load_idx %arg7[%parallel_loop3A_249, %parallel_loop3A_195] : memref<512x32xf32, #tpu.memory_space<vmem>>[vector<16xi32>, vector<16xi32>], vector<16xf32>,
        %parallel_loop3A_251 = arith.index_cast %parallel_loop3A_135 : i32 to index
        %parallel_loop3A_252 = arith.index_cast %parallel_loop3A_175 : i32 to index
        %parallel_loop3A_253 = arith.index_cast %parallel_loop3A_191 : i32 to index
        %parallel_loop3A_254 = arith.constant 64 : index
        %parallel_loop3A_255 = tpu.vector_load %arg9[%parallel_loop3A_251, %parallel_loop3A_252, %parallel_loop3A_253, %parallel_loop3A_254] {strides = array<i32>} : memref<4x4x8x128xf32, #tpu.memory_space<vmem>>, vector<16xf32>,
        tpu.vector_store %arg9[%parallel_loop3A_251, %parallel_loop3A_252, %parallel_loop3A_253, %parallel_loop3A_254], %parallel_loop3A_250 {strides = array<i32>} : memref<4x4x8x128xf32, #tpu.memory_space<vmem>>, vector<16xf32>,
        %parallel_loop3A_256 = arith.constant 128 : i32
        %parallel_loop3A_257 = arith.muli %parallel_loop3A_175, %parallel_loop3A_256 : i32
        %parallel_loop3A_258 = arith.constant 80 : i32
        %parallel_loop3A_259 = arith.addi %parallel_loop3A_257, %parallel_loop3A_258 : i32
        %parallel_loop3A_260 = vector.broadcast %parallel_loop3A_259 : i32 to vector<16xi32>
        %parallel_loop3A_261 = arith.addi %parallel_loop3A_260, %iota3A : vector<16xi32>
        %parallel_loop3A_262 = tpu.vector_load_idx %arg7[%parallel_loop3A_261, %parallel_loop3A_195] : memref<512x32xf32, #tpu.memory_space<vmem>>[vector<16xi32>, vector<16xi32>], vector<16xf32>,
        %parallel_loop3A_263 = arith.index_cast %parallel_loop3A_135 : i32 to index
        %parallel_loop3A_264 = arith.index_cast %parallel_loop3A_175 : i32 to index
        %parallel_loop3A_265 = arith.index_cast %parallel_loop3A_191 : i32 to index
        %parallel_loop3A_266 = arith.constant 80 : index
        %parallel_loop3A_267 = tpu.vector_load %arg9[%parallel_loop3A_263, %parallel_loop3A_264, %parallel_loop3A_265, %parallel_loop3A_266] {strides = array<i32>} : memref<4x4x8x128xf32, #tpu.memory_space<vmem>>, vector<16xf32>,
        tpu.vector_store %arg9[%parallel_loop3A_263, %parallel_loop3A_264, %parallel_loop3A_265, %parallel_loop3A_266], %parallel_loop3A_262 {strides = array<i32>} : memref<4x4x8x128xf32, #tpu.memory_space<vmem>>, vector<16xf32>,
        %parallel_loop3A_268 = arith.constant 128 : i32
        %parallel_loop3A_269 = arith.muli %parallel_loop3A_175, %parallel_loop3A_268 : i32
        %parallel_loop3A_270 = arith.constant 96 : i32
        %parallel_loop3A_271 = arith.addi %parallel_loop3A_269, %parallel_loop3A_270 : i32
        %parallel_loop3A_272 = vector.broadcast %parallel_loop3A_271 : i32 to vector<16xi32>
        %parallel_loop3A_273 = arith.addi %parallel_loop3A_272, %iota3A : vector<16xi32>
        %parallel_loop3A_274 = tpu.vector_load_idx %arg7[%parallel_loop3A_273, %parallel_loop3A_195] : memref<512x32xf32, #tpu.memory_space<vmem>>[vector<16xi32>, vector<16xi32>], vector<16xf32>,
        %parallel_loop3A_275 = arith.index_cast %parallel_loop3A_135 : i32 to index
        %parallel_loop3A_276 = arith.index_cast %parallel_loop3A_175 : i32 to index
        %parallel_loop3A_277 = arith.index_cast %parallel_loop3A_191 : i32 to index
        %parallel_loop3A_278 = arith.constant 96 : index
        %parallel_loop3A_279 = tpu.vector_load %arg9[%parallel_loop3A_275, %parallel_loop3A_276, %parallel_loop3A_277, %parallel_loop3A_278] {strides = array<i32>} : memref<4x4x8x128xf32, #tpu.memory_space<vmem>>, vector<16xf32>,
        tpu.vector_store %arg9[%parallel_loop3A_275, %parallel_loop3A_276, %parallel_loop3A_277, %parallel_loop3A_278], %parallel_loop3A_274 {strides = array<i32>} : memref<4x4x8x128xf32, #tpu.memory_space<vmem>>, vector<16xf32>,
        %parallel_loop3A_280 = arith.constant 128 : i32
        %parallel_loop3A_281 = arith.muli %parallel_loop3A_175, %parallel_loop3A_280 : i32
        %parallel_loop3A_282 = arith.constant 112 : i32
        %parallel_loop3A_283 = arith.addi %parallel_loop3A_281, %parallel_loop3A_282 : i32
        %parallel_loop3A_284 = vector.broadcast %parallel_loop3A_283 : i32 to vector<16xi32>
        %parallel_loop3A_285 = arith.addi %parallel_loop3A_284, %iota3A : vector<16xi32>
        %parallel_loop3A_286 = tpu.vector_load_idx %arg7[%parallel_loop3A_285, %parallel_loop3A_195] : memref<512x32xf32, #tpu.memory_space<vmem>>[vector<16xi32>, vector<16xi32>], vector<16xf32>,
        %parallel_loop3A_287 = arith.index_cast %parallel_loop3A_135 : i32 to index
        %parallel_loop3A_288 = arith.index_cast %parallel_loop3A_175 : i32 to index
        %parallel_loop3A_289 = arith.index_cast %parallel_loop3A_191 : i32 to index
        %parallel_loop3A_290 = arith.constant 112 : index
        %parallel_loop3A_291 = tpu.vector_load %arg9[%parallel_loop3A_287, %parallel_loop3A_288, %parallel_loop3A_289, %parallel_loop3A_290] {strides = array<i32>} : memref<4x4x8x128xf32, #tpu.memory_space<vmem>>, vector<16xf32>,
        tpu.vector_store %arg9[%parallel_loop3A_287, %parallel_loop3A_288, %parallel_loop3A_289, %parallel_loop3A_290], %parallel_loop3A_286 {strides = array<i32>} : memref<4x4x8x128xf32, #tpu.memory_space<vmem>>, vector<16xf32>,
      } {sc.loop_unroll_factor = 8 : i64, sc.parallel_access}
      %mul3A_92 = arith.constant 4 : i32
      %mul3A_93 = arith.muli %mul3A_92, %add3A : i32
      %dma_start3A_94 = arith.constant 0 : i32
      %dma_start3A_95 = arith.constant 0 : i32
      %dma_start3A_96 = arith.constant 0 : i32
      %dma_start3A_97 = tpu.memref_slice %arg4[%add3A_77, %dma_start3A_94, %mul3A_93, %dma_start3A_95, %dma_start3A_96] : memref<50x4x128x8x128xf32, #tpu.memory_space<hbm>> -> memref<1x4x4x8x128xf32, #tpu.memory_space<hbm>>
      %dma_start3A_98 = tpu.memref_squeeze %dma_start3A_97 : memref<1x4x4x8x128xf32, #tpu.memory_space<hbm>> -> memref<4x4x8x128xf32, #tpu.memory_space<hbm>>
      %dma_start3A_99 = arith.constant 0 : i32
      %dma_start3A_100 = arith.constant 0 : i32
      %dma_start3A_101 = arith.constant 0 : i32
      %dma_start3A_102 = tpu.memref_slice %arg4[%add3A_77, %dma_start3A_99, %mul3A_93, %dma_start3A_100, %dma_start3A_101] : memref<50x4x128x8x128xf32, #tpu.memory_space<hbm>> -> memref<1x4x4x8x128xf32, #tpu.memory_space<hbm>>
      %dma_start3A_103 = tpu.memref_squeeze %dma_start3A_102 : memref<1x4x4x8x128xf32, #tpu.memory_space<hbm>> -> memref<4x4x8x128xf32, #tpu.memory_space<hbm>>
      tpu.enqueue_dma source(%arg9 : memref<4x4x8x128xf32, #tpu.memory_space<vmem>>) target(%dma_start3A_103 : memref<4x4x8x128xf32, #tpu.memory_space<hbm>>) target_semaphore(%arg13 : memref<!tpu.dma_semaphore, #tpu.memory_space<semaphore_mem>>)
      %add3A_104 = arith.constant 2 : i32
      %add3A_105 = arith.addi %add3A_77, %add3A_104 : i32
      %lt3A_106 = arith.constant 50 : i32
      %lt3A_107 = arith.cmpi slt, %add3A_105, %lt3A_106 : i32
      %convert_element_type3A_108 = arith.extui %lt3A_107 : i1 to i32
      %cond3A_109 = arith.constant 0 : i32
      %cond3A_110 = arith.cmpi ne, %convert_element_type3A_108, %cond3A_109 : i32
      scf.if %cond3A_110 {
        %dma_start3A_111 = arith.constant 0 : i32
        %dma_start3A_112 = tpu.memref_slice %arg5[%add3A_105, %dma_start3A_111] : memref<50x512xi32, #tpu.memory_space<vmem>> -> memref<1x512xi32, #tpu.memory_space<vmem>>
        %dma_start3A_113 = tpu.memref_squeeze %dma_start3A_112 : memref<1x512xi32, #tpu.memory_space<vmem>> -> memref<512xi32, #tpu.memory_space<vmem>>
        %dma_start3A_114 = arith.constant 0 : i32
        %dma_start3A_115 = arith.constant 0 : i32
        %dma_start3A_116 = tpu.memref_slice %arg2[%dma_start3A_114, %dma_start3A_115] : memref<1000000x32xf32, #tpu.memory_space<hbm>> -> memref<1000000x32xf32, #tpu.memory_space<hbm>>
        tpu.enqueue_indirect_dma source(%dma_start3A_116 : memref<1000000x32xf32, #tpu.memory_space<hbm>>) target(%arg7 : memref<512x32xf32, #tpu.memory_space<vmem>>) offsets(%dma_start3A_113 : memref<512xi32, #tpu.memory_space<vmem>>) semaphore(%arg11 : memref<!tpu.dma_semaphore, #tpu.memory_space<semaphore_mem>>)
      } else {
      }
    }
    %scan3A_17 = arith.constant 25 : i32
    %mul3A_18 = arith.constant 4 : i32
    %mul3A_19 = arith.muli %mul3A_18, %add3A : i32
    %dma_wait3A = arith.constant 48 : i32
    %dma_wait3A_20 = arith.constant 0 : i32
    %dma_wait3A_21 = arith.constant 0 : i32
    %dma_wait3A_22 = arith.constant 0 : i32
    %dma_wait3A_23 = tpu.memref_slice %arg4[%dma_wait3A, %dma_wait3A_20, %mul3A_19, %dma_wait3A_21, %dma_wait3A_22] : memref<50x4x128x8x128xf32, #tpu.memory_space<hbm>> -> memref<1x4x4x8x128xf32, #tpu.memory_space<hbm>>
    %dma_wait3A_24 = tpu.memref_squeeze %dma_wait3A_23 : memref<1x4x4x8x128xf32, #tpu.memory_space<hbm>> -> memref<4x4x8x128xf32, #tpu.memory_space<hbm>>
    %dma_wait3A_25 = arith.constant 0 : i32
    %dma_wait3A_26 = arith.constant 0 : i32
    %dma_wait3A_27 = arith.constant 0 : i32
    %dma_wait3A_28 = tpu.memref_slice %arg4[%dma_wait3A, %dma_wait3A_25, %mul3A_19, %dma_wait3A_26, %dma_wait3A_27] : memref<50x4x128x8x128xf32, #tpu.memory_space<hbm>> -> memref<1x4x4x8x128xf32, #tpu.memory_space<hbm>>
    %dma_wait3A_29 = tpu.memref_squeeze %dma_wait3A_28 : memref<1x4x4x8x128xf32, #tpu.memory_space<hbm>> -> memref<4x4x8x128xf32, #tpu.memory_space<hbm>>
    tpu.wait_dma2 semaphore(%arg12 : memref<!tpu.dma_semaphore, #tpu.memory_space<semaphore_mem>>) src(%arg8 : memref<4x4x8x128xf32, #tpu.memory_space<vmem>>) dst(%dma_wait3A_29 : memref<4x4x8x128xf32, #tpu.memory_space<hbm>>)
    %mul3A_30 = arith.constant 4 : i32
    %mul3A_31 = arith.muli %mul3A_30, %add3A : i32
    %dma_wait3A_32 = arith.constant 49 : i32
    %dma_wait3A_33 = arith.constant 0 : i32
    %dma_wait3A_34 = arith.constant 0 : i32
    %dma_wait3A_35 = arith.constant 0 : i32
    %dma_wait3A_36 = tpu.memref_slice %arg4[%dma_wait3A_32, %dma_wait3A_33, %mul3A_31, %dma_wait3A_34, %dma_wait3A_35] : memref<50x4x128x8x128xf32, #tpu.memory_space<hbm>> -> memref<1x4x4x8x128xf32, #tpu.memory_space<hbm>>
    %dma_wait3A_37 = tpu.memref_squeeze %dma_wait3A_36 : memref<1x4x4x8x128xf32, #tpu.memory_space<hbm>> -> memref<4x4x8x128xf32, #tpu.memory_space<hbm>>
    %dma_wait3A_38 = arith.constant 0 : i32
    %dma_wait3A_39 = arith.constant 0 : i32
    %dma_wait3A_40 = arith.constant 0 : i32
    %dma_wait3A_41 = tpu.memref_slice %arg4[%dma_wait3A_32, %dma_wait3A_38, %mul3A_31, %dma_wait3A_39, %dma_wait3A_40] : memref<50x4x128x8x128xf32, #tpu.memory_space<hbm>> -> memref<1x4x4x8x128xf32, #tpu.memory_space<hbm>>
    %dma_wait3A_42 = tpu.memref_squeeze %dma_wait3A_41 : memref<1x4x4x8x128xf32, #tpu.memory_space<hbm>> -> memref<4x4x8x128xf32, #tpu.memory_space<hbm>>
    tpu.wait_dma2 semaphore(%arg13 : memref<!tpu.dma_semaphore, #tpu.memory_space<semaphore_mem>>) src(%arg9 : memref<4x4x8x128xf32, #tpu.memory_space<vmem>>) dst(%dma_wait3A_42 : memref<4x4x8x128xf32, #tpu.memory_space<hbm>>)
    return
  }
}

</mosaic_0001>

<sc_bundles>
// kernel: kernel.3.cloned.1.call-start
scs
__scs_entry_jumppad:
0x0: {  	(pc) =	sbr.rel $0x88, $3  }
0x1: {  	(tag) =	ssettag $0x0;
	lr =	simm.s32 $0x1  }
0x2: {  	[smem:$0x3F9F] =	sst lr;
	_ =	strace $0xD0000000  }
0x3: {  	_ = 	snop  }
0x4: {  	_ = 	snop  }
0x5: {  	_ = 	snop  }
0x6: {  	_ = 	snop  }
0x7: {  	_ = 	snop  }
__scs_overlays_trampoline_lowered:
0x8: {  	[smem:$0x3FAE] =	sst s0  }
0x9: {  	[smem:$0x3FAF] =	sst s1  }
0xa: {  	[smem:$0x3FB0] =	sst s2  }
0xb: {  	[smem:$0x3FB1] =	sst s3  }
0xc: {  	[smem:$0x3FB2] =	sst s4  }
0xd: {  	[smem:$0x3FB3] =	sst s5  }
0xe: {  	[smem:$0x3FB4] =	sst s6  }
0xf: {  	[smem:$0x3FB5] =	sst s7  }
0x10: {  	[smem:$0x3FB6] =	sst s8  }
0x11: {  	[smem:$0x3FB7] =	sst s9;
	s0 =	simm.s32 @!p0 $0x0  }
0x12: {  	s1 =	sld [smem:$0x3F9D];
	s0 =	simm.s32 @p0 $0x1  }
0x13: {  	[smem:$0x3FB8] =	sst s0;
	s0 =	simm.s32 @!p1 $0x0  }
0x14: {  	s2 =	sld [smem:$0x3F9C];
	s0 =	simm.s32 @p1 $0x1  }
0x15: {  	[smem:$0x3FB9] =	sst s0;
	s0 =	simm.s32 @!p2 $0x0  }
0x16: {  	s3 =	sld [smem:$0x3FDB];
	s0 =	simm.s32 @p2 $0x1  }
0x17: {  	s4 =	simm.s32 $0x1BF5;
	[smem:$0x3FBB] =	sst s0  }
0x18: {  	s0 =	sld [smem:$0x3F9E];
	_ =	swait.ge [sflag:s4], $0x0  }
0x19: {  	s7 =	sld [smem:$0x3F9F]  }
0x1a: {  	s8 =	sadd.s32 $0xFFFFE003, lr  }
0x1b: {  	s9 =	sadd.s32 $0xFFFFFEF7, lr;
	s5 =	simm.s32 $0xFFFFFFFF;
	p2 =	slt.u32 s8, $0xFFFFF086  }
0x1c: {  	p1 =	slt.u32 s9, $0xF7A;
	s5 =	simm.s32 @!p2 $0x0  }
0x1d: {  	s5 =	simm.s32 @p1 $0x1;
	p0 =	seq.s32 s7, s2  }
0x1e: {  	s7 =	smul.u32 @!p0 $0xF7A, s2;
	p2 =	seq.s32 @!p0 s5, $0x0  }
0x1f: {  	s9 =	smul.u32 $0xF7A, s1;
	s8 =	simm.s32 @!p0 $0x1BF5;
	p2 =	por !p2, p0  }
0x20: {  	[sflag:s8] =	ssyncset.s32 @!p0 $0xFFFFF086;
	s6 =	sadd.s32 @!p0 s3, s7;
	s7 =	simm.s32 @!p0 $0x108  }
0x21: {  	s3 =	sadd.s32 s3, s9;
	s6 =	sadd.s32 @!p0 $0x88, s6;
	s7 =	simm.s32 @p2 $0x1082  }
0x22: {  	[simem:s7], [sflag:s8] =	dma.local @!p0 [hbm:s6], $0xF7A  }
0x23: {  	s9 =	sor.u32 $0xD0000000, s2;
	s6 =	simm.s32 $0x108;
	_ =	swait.ge @!p0 [sflag:s8], $0x0  }
0x24: {  	s3 =	sadd.s32 $0x88, s3;
	s6 =	simm.s32 @!p1 $0x1082;
	[sflag:s4] =	ssyncset.s32 $0xFFFFF086  }
0x25: {  	[simem:s6], [sflag:s4] =	dma.local [hbm:s3], $0xF7A  }
0x26: {  	[smem:$0x3F9F] =	sst s1;
	(tag) =	ssettag s2;
	_ =	strace s9  }
0x27: {  	s1 =	sld [smem:$0x3FAF]  }
0x28: {  	s2 =	sld [smem:$0x3FB0]  }
0x29: {  	s4 =	sld [smem:$0x3FB2]  }
0x2a: {  	p0 =	seq.s32 s5, $0x0;
	s5 =	sld [smem:$0x3FB3]  }
0x2b: {  	s6 =	sld [smem:$0x3FB4]  }
0x2c: {  	s7 =	sld [smem:$0x3FB5]  }
0x2d: {  	s3 =	simm.s32 $0x108;
	s8 =	sld [smem:$0x3FB6]  }
0x2e: {  	s3 =	simm.s32 @!p0 $0x1082;
	s9 =	sld [smem:$0x3FB7]  }
0x2f: {  	lr =	sadd.s32 s0, s3;
	s0 =	sld [smem:$0x3FAE]  }
0x30: {  	s3 =	sld [smem:$0x3FB1]  }
0x31: {  	[smem:$0x3FBA] =	sst s10  }
0x32: {  	s10 =	sld [smem:$0x3FB8];
	_ =	sdelay $0x3  }
0x33: {  	p0 =	seq.s32 s10, $0x1;
	s10 =	sld [smem:$0x3FBA];
	_ =	sdelay $0x3  }
0x34: {  	[smem:$0x3FBA] =	sst s10  }
0x35: {  	s10 =	sld [smem:$0x3FB9];
	_ =	sdelay $0x3  }
0x36: {  	p1 =	seq.s32 s10, $0x1;
	s10 =	sld [smem:$0x3FBA];
	_ =	sdelay $0x3  }
0x37: {  	[smem:$0x3FBA] =	sst s10  }
0x38: {  	s10 =	sld [smem:$0x3FBB]  }
0x39: {  	_ = 	snop;
	(pc) =	sbr.ind lr, $3  }
0x3a: {  	_ = 	snop  }
0x3b: {  	_ = 	snop  }
0x3c: {  	p2 =	seq.s32 s10, $0x1;
	s10 =	sld [smem:$0x3FBA]  }
0x3d: {  	_ =	shalt  }
0x3e: {  	_ =	shalt  }
0x3f: {  	_ =	shalt  }
0x40: {  	_ =	shalt  }
0x41: {  	_ =	shalt  }
0x42: {  	_ =	shalt  }
0x43: {  	_ =	shalt  }
0x44: {  	_ =	shalt  }
0x45: {  	_ =	shalt  }
0x46: {  	_ =	shalt  }
0x47: {  	_ =	shalt  }
0x48: {  	_ =	shalt  }
0x49: {  	_ =	shalt  }
0x4a: {  	_ =	shalt  }
0x4b: {  	_ =	shalt  }
0x4c: {  	_ =	shalt  }
0x4d: {  	_ =	shalt  }
0x4e: {  	_ =	shalt  }
0x4f: {  	_ =	shalt  }
0x50: {  	_ =	shalt  }
0x51: {  	_ =	shalt  }
0x52: {  	_ =	shalt  }
0x53: {  	_ =	shalt  }
0x54: {  	_ =	shalt  }
0x55: {  	_ =	shalt  }
0x56: {  	_ =	shalt  }
0x57: {  	_ =	shalt  }
0x58: {  	_ =	shalt  }
0x59: {  	_ =	shalt  }
0x5a: {  	_ =	shalt  }
0x5b: {  	_ =	shalt  }
0x5c: {  	_ =	shalt  }
0x5d: {  	_ =	shalt  }
0x5e: {  	_ =	shalt  }
0x5f: {  	_ =	shalt  }
0x60: {  	_ =	shalt  }
0x61: {  	_ =	shalt  }
0x62: {  	_ =	shalt  }
0x63: {  	_ =	shalt  }
0x64: {  	_ =	shalt  }
0x65: {  	_ =	shalt  }
0x66: {  	_ =	shalt  }
0x67: {  	_ =	shalt  }
0x68: {  	_ =	shalt  }
0x69: {  	_ =	shalt  }
0x6a: {  	_ =	shalt  }
0x6b: {  	_ =	shalt  }
0x6c: {  	_ =	shalt  }
0x6d: {  	_ =	shalt  }
0x6e: {  	_ =	shalt  }
0x6f: {  	_ =	shalt  }
0x70: {  	_ =	shalt  }
0x71: {  	_ =	shalt  }
0x72: {  	_ =	shalt  }
0x73: {  	_ =	shalt  }
0x74: {  	_ =	shalt  }
0x75: {  	_ =	shalt  }
0x76: {  	_ =	shalt  }
0x77: {  	_ =	shalt  }
0x78: {  	_ =	shalt  }
0x79: {  	_ =	shalt  }
0x7a: {  	_ =	shalt  }
0x7b: {  	_ =	shalt  }
0x7c: {  	_ =	shalt  }
0x7d: {  	_ =	shalt  }
0x7e: {  	_ =	shalt  }
0x7f: {  	_ =	shalt  }
0x80: {  	_ =	shalt  }
0x81: {  	_ =	shalt  }
0x82: {  	_ =	shalt  }
0x83: {  	_ =	shalt  }
0x84: {  	_ =	shalt  }
0x85: {  	_ =	shalt  }
0x86: {  	_ =	shalt  }
0x87: {  	_ =	shalt  }
.Lfunc_end0:
.L_simem_size_0:
called_computation_lowered:
.L_overlay_start_0:
0x88: {  	s2 =	sld [smem:$0x3FD9]  }
0x89: {  	s3 =	sld [smem:$0x3FFE];
	_ =	sdelay $0x1  }
0x8a: {  	s1 =	srdreg.scid  }
0x8b: {  	s0 =	sand.u32 $0x1, s1  }
0x8c: {  	s17 =	sshll.u32 s0, $0xA;
	s2 =	sadd.s32 s3, s2  }
0x8d: {  	s2 =	sadd.s32 s2, s17  }
0x8e: {  	[smem:$0x3FC6] =	sst s2  }
0x8f: {  	_ = 	snop  }
0x90: {  	s2 =	sld [smem:$0x3FD0];
	(tm) =	ssettm $0x1  }
0x91: {  	s18 =	sld [smem:$0x3FFB];
	_ =	sdelay $0x3  }
0x92: {  	_ =	strace s18  }
0x93: {  	s3 =	sld [smem:$0x3FFC];
	_ =	sdelay $0x3  }
0x94: {  	_ =	strace s3  }
0x95: {  	s3 =	sld [smem:$0x3FFD];
	_ =	sdelay $0x3  }
0x96: {  	_ =	strace s3  }
0x97: {  	_ =	strace $0x8FFFFFFF  }
0x98: {  	s19 =	sld [smem:$0x3FDB];
	_ =	sdelay $0x1  }
0x99: {  	s4 =	simm.s32 $_scs_section_size  }
0x9a: {  	s5 =	simm.s32 $_size__tile_overlayer_lowered;
	s6 =	simm.s32 $_tile_overlayer_lowered  }
0x9b: {  	s22 =	simm.s32 $0x1BFF;
	s21 =	sshll.u32 s6, $0x1;
	s3 =	sadd.s32 s4, s19  }
0x9c: {  	s7 =	simm.s32 $0x0;
	s20 =	sshll.u32 s5, $0x1;
	s5 =	sadd.s32 s21, s3  }
0x9d: {  	[timem:s7], [sflag:s22] =	dma.local [hbm:s5], s20  }
0x9e: {  	_ =	swait.ge [sflag:s22], s20  }
0x9f: {  	s4 =	ssub.s32 $0x0, s20;
	[sflag:s22] =	ssyncset.done $0x0  }
0xa0: {  	[sflag:s22] =	ssyncadd.s32 s4;
	_ =	sdelay $0x1  }
0xa1: {  	s23 =	simm.s32 $0x1B8B  }
0xa2: {  	_ =	swait.ge [sflag:s23], $0x1  }
0xa3: {  	[sflag:s23] =	ssyncset.done $0x0  }
0xa4: {  	s25 =	simm.s32 $0x1B8E;
	s24 =	sld [smem:$0x3FFE];
	[sflag:s23] =	ssyncadd.s32 $0xFFFFFFFF  }
0xa5: {  	s26 =	simm.s32 $execute0_lowered;
	[smem:$0x3FD2] =	sst s25  }
0xa6: {  	s5 =	sshll.u32 s26, $0x1;
	_ =	strace $0x80000046;
	[dreg:$0x1] =	wrdreg $0xFFFFFFFF  }
0xa7: {  	s28 =	simm.s32 $_size_execute0_lowered;
	s3 =	sadd.s32 s3, s5;
	[dreg:$0x0] =	wrdreg $0x0  }
0xa8: {  	s5 =	sshll.u32 s28, $0x1;
	[dreg:$0x2] =	wrdreg s3  }
0xa9: {  	[dreg:$0x3] =	wrdreg s5  }
0xaa: {  	[dreg:$0x4] =	wrdreg $0xC0  }
0xab: {  	_ =	task [dreg:s7], $0x5FFFF  }
0xac: {  	[dreg:$0x1] =	wrdreg $0xFFFFFFFF  }
0xad: {  	[dreg:$0x0] =	wrdreg $0x60  }
0xae: {  	[dreg:$0x2] =	wrdreg s24  }
0xaf: {  	[dreg:$0x3] =	wrdreg s2  }
0xb0: {  	[dreg:$0x4] =	wrdreg $0x9  }
0xb1: {  	_ =	task.clear_ibuf [dreg:s7], $0x5FFFF;
	_ =	strace $0x90000046  }
0xb2: {  	s29 =	simm.s32 $0x9;
	_ =	strace $0x80000048  }
0xb3: {  	_ =	swait.ge [sflag:s29], $0x1  }
0xb4: {  	[sflag:s29] =	ssyncadd.s32 $0xFFFFFFFF  }
0xb5: {  	_ =	strace $0x90000048  }
0xb6: {  	_ =	sfence  }
0xb7: {  	s30 =	sld [smem:$0x0];
	_ =	sdelay $0x2  }
0xb8: {  	s31 =	sshll.u32 s1, $0xD;
	s1 =	sshrl.u32 s1, $0x2  }
0xb9: {  	s3 =	sand.u32 $0x4000, s31;
	s1 =	sadd.s32 s1, s30  }
0xba: {  	s0 =	sor.u32 s3, s0;
	s1 =	sshll.u32 s1, $0x11  }
0xbb: {  	s0 =	sor.u32 s1, s0  }
0xbc: {  	s0 =	sadd.s32 $0x8F2B, s0  }
0xbd: {  	[sflag:s0] =	ssyncadd.remote.s32 $0x1  }
0xbe: {  	_ =	sfence.sel $0xFFFF  }
0xbf: {  	[dreg:$0x0] =	wrdreg $0xFFFFFFFF;
	(pc) =	sbr.abs _section_cstart, $3  }
0xc0: {  	[dreg:$0x1] =	wrdreg $0xFFFFFFFF  }
0xc1: {  	_ =	task.clear_ibuf [dreg:s7], $0x2FFFF;
	_ =	strace $0x9FFFFFFF  }
0xc2: {  	(tm) =	ssettm $0x7FFFFFFF  }
0xc3: {  	_ =	shalt  }
tec
execute0_lowered:
.L_overlay_start_1:
0x0: {  	(tag) =	ssettag $0x1  }
0x1: {  	s5 =	rddreg [dreg:$0x0];
	s1 =	srdreg.scid  }
0x2: {  	s0 =	stileid.u32;
	s2 =	rddreg [dreg:$0x1]  }
0x3: {  	s3 =	simm.s32 $0x0;
	s9 =	simm.s32 $0x5;
	s10 =	simm.s32 $0x200  }
0x4: {  	s11 =	simm.s32 $0x6400;
	s12 =	simm.s32 $0xA400;
	s13 =	simm.s32 $0x1  }
0x5: {  	s14 =	simm.s32 $0x1000;
	s15 =	simm.s32 $0x20000;
	s16 =	simm.s32 $0xE400  }
0x6: {  	s17 =	simm.s32 $0x2;
	s18 =	simm.s32 $0x4;
	s19 =	simm.s32 $0x12400  }
0x7: {  	s20 =	simm.s32 $0x3;
	s4 =	sand.u32 $0x1, s1;
	s6 =	sshll.u32 s0, $0x1  }
.Ltmp0:
0x8: {  	s21 =	simm.s32 $0x0;
	s6 =	sor.u32 s4, s6;
	(pc) =	sbr.rel .LBB2_1-.Ltmp0, $4  }
0x9: {  	[smem:$0x7FF] =	sst s3;
	s8 =	ssub.s32 $0x2, s4;
	s7 =	smul.u32 $0xC80, s6  }
0xa: {  	_ =	strace $0x80000047;
	s4 =	sadd.s32 $0xF42A00, s5;
	s31 =	sshrl.u32 s8, $0x1  }
0xb: {  	v0 =	vlaneseq.u32;
	s6 =	sshll.u32 s6, $0x9;
	s8 =	ssub.s32 s8, s31;
	s5 =	sadd.s32 s7, s5  }
0xc: {  	v0 =	vmul.u32 $0x20, v0;
	s7 =	sadd.s32 $0x10000, s2;
	s8 =	smax.u32 s8, $0x1;
	s5 =	sadd.s32 $0x600, s5  }
.LBB2_12:
0xd: {  	s21 =	sadd.s32 $0x1, s21  }
0xe: {  	_ =	swait.ge [sflag:s20], $0x4000;
	p0 =	sne.s32 s21, s8  }
.Ltmp1:
0xf: {  	[sflag:s20] =	ssyncset.done $0x0;
	(pc) =	sbr.rel @!p0 .LBB2_13-.Ltmp1, $4  }
0x10: {  	[sflag:s20] =	ssyncadd.s32 $0xFFFFC000  }
0x11: {  	_ =	swait.ge [sflag:s18], $0x4000  }
0x12: {  	[sflag:s18] =	ssyncset.done $0x0  }
0x13: {  	[sflag:s18] =	ssyncadd.s32 $0xFFFFC000  }
.LBB2_1:
0x14: {  	[tilespmem:s3], [sflag:$0x5] =	stream.linear.gather [hbm4b:s5+s3], $0x6400, $0x38;
	[tilespmem:$0x16400] =	vst v63  }
0x15: {  	_ =	swait.ge [sflag:s9], $0x6400  }
0x16: {  	[sflag:s9] =	ssyncset.done $0x0  }
0x17: {  	[sflag:s9] =	ssyncadd.s32 $0xFFFF9C00  }
0x18: {  	[tilespmem:s11], [sflag:$0x1] =	stream.indirect.gather [hbm4b:s4+s10], $0x20, s3, s10, $0xb8;
	[tilespmem:$0x16400] =	vst v63  }
0x19: {  	s22 =	simm.s32 $0x0  }
0x1a: {  	[tilespmem:s12], [sflag:$0x2] =	stream.indirect.gather [hbm4b:s4+s10], $0x20, s10, s10, $0xb8;
	[tilespmem:$0x16400] =	vst v63  }
.LBB2_2:
0x1b: {  	s23 =	simm.s32 $0x0;
	s24 =	simm.s32 $0x0  }
0x1c: {  	s25 =	sand.u32 $0x3, s23;
	v1 =	vmov s24  }
0x1d: {  	s23 =	sshll.u32 s25, $0x7;
	v1 =	vshrl.u32 v1, $0x3  }
0x1e: {  	v2 =	vmov s23;
	v1 =	vshll.u32 v1, $0x3  }
0x1f: {  	v2 =	vshll.u32 v2, $0x5;
	v1 =	vbroadcast v1, $0x0  }
0x20: {  	_ =	swait.ge [sflag:s13], $0x4000;
	v2 =	vor.u32 v0, v2  }
0x21: {  	p0 =	seq.s32 s22, $0x0;
	[sflag:s13] =	ssyncset.done $0x0;
	v2 =	vadd.s32 v1, v2  }
0x22: {  	s24 =	simm.s32 @!p0 $0x3;
	[sflag:s13] =	ssyncadd.s32 $0xFFFFC000;
	v3 =	vor.u32 $0x7, v2  }
0x23: {  	_ =	swait.ge @!p0 [sflag:s24], $0x4000;
	v4 =	vor.u32 $0x1, v2  }
0x24: {  	s26 =	sor.u32 $0x10, s23;
	[sflag:s24] =	ssyncset.done @!p0 $0x0;
	v5 =	vor.u32 $0x2, v2  }
0x25: {  	v7 =	vmov s26;
	[sflag:s24] =	ssyncadd.s32 @!p0 $0xFFFFC000;
	v6 =	vor.u32 $0x3, v2  }
0x26: {  	v7 =	vshll.u32 v7, $0x5;
	v8 =	vor.u32 $0x4, v2;
	v9 =	vld.idx.msk [tilespmem:v2+s11+$0x0], $0xffff  }
0x27: {  	v7 =	vor.u32 v0, v7;
	v10 =	vor.u32 $0x5, v2;
	v3 =	vld.idx.msk [tilespmem:v3+s11+$0x0], $0xffff  }
0x28: {  	v7 =	vadd.s32 v1, v7;
	v2 =	vor.u32 $0x6, v2;
	v4 =	vld.idx.msk [tilespmem:v4+s11+$0x0], $0xffff  }
0x29: {  	s26 =	simm.s32 $0x0;
	v11 =	vor.u32 $0x7, v7;
	v5 =	vld.idx.msk [tilespmem:v5+s11+$0x0], $0xffff  }
0x2a: {  	s25 =	sshll.u32 s25, $0xA;
	s24 =	sand.u32 $0x3FFFF000, s26;
	v12 =	vor.u32 $0x1, v7;
	v6 =	vld.idx.msk [tilespmem:v6+s11+$0x0], $0xffff  }
0x2b: {  	s24 =	sor.u32 s25, s24;
	v13 =	vor.u32 $0x2, v7;
	v8 =	vld.idx.msk [tilespmem:v8+s11+$0x0], $0xffff  }
0x2c: {  	s29 =	sor.u32 $0x20, s23;
	v14 =	vor.u32 $0x3, v7;
	v10 =	vld.idx.msk [tilespmem:v10+s11+$0x0], $0xffff;
	[tilespmem:s24+$0xE400] =	vst v9  }
0x2d: {  	v15 =	vmov s29;
	v16 =	vor.u32 $0x4, v7;
	v2 =	vld.idx.msk [tilespmem:v2+s11+$0x0], $0xffff;
	[tilespmem:s24+$0xE780] =	vst v3  }
0x2e: {  	v15 =	vshll.u32 v15, $0x5;
	[tilespmem:s24+$0xE480] =	vst v4;
	v4 =	vld.idx.msk [tilespmem:v11+s11+$0x0], $0xffff  }
0x2f: {  	v15 =	vor.u32 v0, v15;
	v3 =	vor.u32 $0x5, v7;
	[tilespmem:s24+$0xE500] =	vst v5;
	v12 =	vld.idx.msk [tilespmem:v12+s11+$0x0], $0xffff  }
0x30: {  	v15 =	vadd.s32 v1, v15;
	[tilespmem:s24+$0xE580] =	vst v6;
	v11 =	vor.u32 $0x6, v7;
	v5 =	vld.idx.msk [tilespmem:v13+s11+$0x0], $0xffff  }
0x31: {  	v6 =	vor.u32 $0x7, v15;
	[tilespmem:s24+$0xE600] =	vst v8;
	v13 =	vld.idx.msk [tilespmem:v14+s11+$0x0], $0xffff  }
0x32: {  	v8 =	vor.u32 $0x1, v15;
	[tilespmem:s24+$0xE680] =	vst v10;
	v14 =	vld.idx.msk [tilespmem:v16+s11+$0x0], $0xffff  }
0x33: {  	v10 =	vor.u32 $0x2, v15;
	v7 =	vld.idx.msk [tilespmem:v7+s11+$0x0], $0xffff;
	[tilespmem:s24+$0xE700] =	vst v2  }
0x34: {  	s30 =	sor.u32 $0x30, s23;
	v2 =	vor.u32 $0x3, v15;
	v3 =	vld.idx.msk [tilespmem:v3+s11+$0x0], $0xffff;
	[tilespmem:s24+$0xE790] =	vst v4  }
0x35: {  	v16 =	vmov s30;
	v11 =	vld.idx.msk [tilespmem:v11+s11+$0x0], $0xffff;
	[tilespmem:s24+$0xE490] =	vst v12  }
0x36: {  	s31 =	sor.u32 $0x40, s23;
	v16 =	vshll.u32 v16, $0x5;
	v4 =	vor.u32 $0x4, v15;
	[tilespmem:s24+$0xE510] =	vst v5;
	v6 =	vld.idx.msk [tilespmem:v6+s11+$0x0], $0xffff  }
0x37: {  	v9 =	vor.u32 v0, v16;
	v16 =	vor.u32 $0x5, v15;
	[tilespmem:s24+$0xE610] =	vst v14;
	v14 =	vmov s31;
	v8 =	vld.idx.msk [tilespmem:v8+s11+$0x0], $0xffff  }
0x38: {  	v9 =	vadd.s32 v1, v9;
	v12 =	vor.u32 $0x6, v15;
	[tilespmem:s24+$0xE590] =	vst v13;
	v10 =	vld.idx.msk [tilespmem:v10+s11+$0x0], $0xffff;
	v14 =	vshll.u32 v14, $0x5  }
0x39: {  	v5 =	vor.u32 $0x7, v9;
	[tilespmem:s24+$0xE410] =	vst v7;
	v14 =	vor.u32 v0, v14;
	v2 =	vld.idx.msk [tilespmem:v2+s11+$0x0], $0xffff  }
0x3a: {  	v13 =	vor.u32 $0x1, v9;
	v7 =	vadd.s32 v1, v14;
	v14 =	vld.idx.msk [tilespmem:v15+s11+$0x0], $0xffff;
	[tilespmem:s24+$0xE690] =	vst v3  }
0x3b: {  	v3 =	vor.u32 $0x2, v9;
	v4 =	vld.idx.msk [tilespmem:v4+s11+$0x0], $0xffff;
	[tilespmem:s24+$0xE710] =	vst v11  }
0x3c: {  	v16 =	vld.idx.msk [tilespmem:v16+s11+$0x0], $0xffff;
	[tilespmem:s24+$0xE7A0] =	vst v6  }
0x3d: {  	v6 =	vor.u32 $0x3, v9;
	v12 =	vld.idx.msk [tilespmem:v12+s11+$0x0], $0xffff;
	[tilespmem:s24+$0xE4A0] =	vst v8  }
0x3e: {  	v11 =	vor.u32 $0x4, v9;
	[tilespmem:s24+$0xE520] =	vst v10;
	v5 =	vld.idx.msk [tilespmem:v5+s11+$0x0], $0xffff  }
0x3f: {  	v15 =	vor.u32 $0x5, v9;
	v13 =	vld.idx.msk [tilespmem:v13+s11+$0x0], $0xffff;
	[tilespmem:s24+$0xE5A0] =	vst v2  }
0x40: {  	v10 =	vor.u32 $0x6, v9;
	[tilespmem:s24+$0xE420] =	vst v14;
	v3 =	vld.idx.msk [tilespmem:v3+s11+$0x0], $0xffff  }
0x41: {  	v8 =	vor.u32 $0x7, v7;
	v9 =	vld.idx.msk [tilespmem:v9+s11+$0x0], $0xffff;
	[tilespmem:s24+$0xE620] =	vst v4  }
0x42: {  	v4 =	vor.u32 $0x1, v7;
	[tilespmem:s24+$0xE6A0] =	vst v16;
	v6 =	vld.idx.msk [tilespmem:v6+s11+$0x0], $0xffff  }
0x43: {  	s1 =	sor.u32 $0x50, s23;
	v11 =	vld.idx.msk [tilespmem:v11+s11+$0x0], $0xffff;
	[tilespmem:s24+$0xE720] =	vst v12  }
0x44: {  	v2 =	vmov s1;
	v15 =	vld.idx.msk [tilespmem:v15+s11+$0x0], $0xffff;
	[tilespmem:s24+$0xE7B0] =	vst v5;
	v5 =	vor.u32 $0x2, v7  }
0x45: {  	v2 =	vshll.u32 v2, $0x5;
	v16 =	vor.u32 $0x3, v7;
	v10 =	vld.idx.msk [tilespmem:v10+s11+$0x0], $0xffff;
	[tilespmem:s24+$0xE4B0] =	vst v13  }
0x46: {  	v14 =	vor.u32 $0x4, v7;
	v2 =	vor.u32 v0, v2;
	v8 =	vld.idx.msk [tilespmem:v8+s11+$0x0], $0xffff;
	[tilespmem:s24+$0xE530] =	vst v3  }
0x47: {  	v2 =	vadd.s32 v1, v2;
	v13 =	vor.u32 $0x5, v7;
	[tilespmem:s24+$0xE430] =	vst v9;
	v4 =	vld.idx.msk [tilespmem:v4+s11+$0x0], $0xffff  }
0x48: {  	v12 =	vor.u32 $0x7, v2;
	v3 =	vor.u32 $0x6, v7;
	v7 =	vld.idx.msk [tilespmem:v7+s11+$0x0], $0xffff;
	[tilespmem:s24+$0xE5B0] =	vst v6  }
0x49: {  	s26 =	sor.u32 $0x60, s23;
	[tilespmem:s24+$0xE630] =	vst v11;
	v5 =	vld.idx.msk [tilespmem:v5+s11+$0x0], $0xffff  }
0x4a: {  	v17 =	vmov s26;
	[tilespmem:s24+$0xE6B0] =	vst v15;
	v16 =	vld.idx.msk [tilespmem:v16+s11+$0x0], $0xffff  }
0x4b: {  	v6 =	vshll.u32 v17, $0x5;
	v14 =	vld.idx.msk [tilespmem:v14+s11+$0x0], $0xffff;
	[tilespmem:s24+$0xE7C0] =	vst v8;
	v8 =	vor.u32 $0x1, v2  }
0x4c: {  	v9 =	vor.u32 $0x4, v2;
	v6 =	vor.u32 v0, v6;
	v13 =	vld.idx.msk [tilespmem:v13+s11+$0x0], $0xffff;
	[tilespmem:s24+$0xE730] =	vst v10  }
0x4d: {  	v6 =	vadd.s32 v1, v6;
	v11 =	vld.idx.msk [tilespmem:v12+s11+$0x0], $0xffff;
	v12 =	vor.u32 $0x2, v2;
	[tilespmem:s24+$0xE4C0] =	vst v4  }
0x4e: {  	v10 =	vor.u32 $0x7, v6;
	v3 =	vld.idx.msk [tilespmem:v3+s11+$0x0], $0xffff;
	[tilespmem:s24+$0xE440] =	vst v7  }
0x4f: {  	s23 =	sor.u32 $0x70, s23;
	v15 =	vor.u32 $0x3, v2;
	v4 =	vor.u32 $0x5, v2;
	[tilespmem:s24+$0xE540] =	vst v5;
	v5 =	vor.u32 $0x6, v2;
	v2 =	vld.idx.msk [tilespmem:v2+s11+$0x0], $0xffff  }
0x50: {  	v17 =	vmov s23;
	[tilespmem:s24+$0xE640] =	vst v14;
	v8 =	vld.idx.msk [tilespmem:v8+s11+$0x0], $0xffff  }
0x51: {  	v17 =	vshll.u32 v17, $0x5;
	[tilespmem:s24+$0xE5C0] =	vst v16;
	v9 =	vld.idx.msk [tilespmem:v9+s11+$0x0], $0xffff  }
0x52: {  	v16 =	vor.u32 $0x1, v6;
	v12 =	vld.idx.msk [tilespmem:v12+s11+$0x0], $0xffff;
	[tilespmem:s24+$0xE7D0] =	vst v11;
	v11 =	vor.u32 v0, v17  }
0x53: {  	v7 =	vor.u32 $0x4, v6;
	[tilespmem:s24+$0xE6C0] =	vst v13;
	v10 =	vld.idx.msk [tilespmem:v10+s11+$0x0], $0xffff;
	v1 =	vadd.s32 v1, v11  }
0x54: {  	[tilespmem:s24+$0xE740] =	vst v3;
	v11 =	vld.idx.msk [tilespmem:v15+s11+$0x0], $0xffff;
	v13 =	vor.u32 $0x7, v1  }
0x55: {  	v14 =	vor.u32 $0x2, v6;
	v4 =	vld.idx.msk [tilespmem:v4+s11+$0x0], $0xffff;
	[tilespmem:s24+$0xE450] =	vst v2  }
0x56: {  	v3 =	vor.u32 $0x3, v6;
	v5 =	vld.idx.msk [tilespmem:v5+s11+$0x0], $0xffff;
	[tilespmem:s24+$0xE4D0] =	vst v8  }
0x57: {  	[tilespmem:s24+$0xE650] =	vst v9;
	v15 =	vld.idx.msk [tilespmem:v16+s11+$0x0], $0xffff  }
0x58: {  	v8 =	vor.u32 $0x5, v6;
	v7 =	vld.idx.msk [tilespmem:v7+s11+$0x0], $0xffff;
	[tilespmem:s24+$0xE7E0] =	vst v10  }
0x59: {  	[tilespmem:s24+$0xE550] =	vst v12;
	v10 =	vor.u32 $0x6, v6;
	v12 =	vld.idx.msk [tilespmem:v13+s11+$0x0], $0xffff  }
0x5a: {  	s29 =	simm.s32 $0x2;
	s25 =	simm.s32 $0x1;
	[tilespmem:s24+$0xE5D0] =	vst v11;
	v11 =	vor.u32 $0x1, v1;
	v13 =	vld.idx.msk [tilespmem:v14+s11+$0x0], $0xffff  }
0x5b: {  	s30 =	sand.u32 $0x3, s25;
	v9 =	vor.u32 $0x2, v1;
	[tilespmem:s24+$0xE6D0] =	vst v4;
	v4 =	vmov s29;
	v3 =	vld.idx.msk [tilespmem:v3+s11+$0x0], $0xffff  }
0x5c: {  	s31 =	sshll.u32 s30, $0x7;
	v6 =	vld.idx.msk [tilespmem:v6+s11+$0x0], $0xffff;
	v14 =	vor.u32 $0x3, v1;
	v4 =	vshrl.u32 v4, $0x3;
	[tilespmem:s24+$0xE750] =	vst v5  }
0x5d: {  	v2 =	vmov s31;
	v5 =	vor.u32 $0x4, v1;
	v4 =	vshll.u32 v4, $0x3;
	v8 =	vld.idx.msk [tilespmem:v8+s11+$0x0], $0xffff;
	[tilespmem:s24+$0xE4E0] =	vst v15  }
0x5e: {  	v17 =	vshll.u32 v2, $0x5;
	v16 =	vor.u32 $0x5, v1;
	v2 =	vbroadcast v4, $0x0;
	[tilespmem:s24+$0xE660] =	vst v7;
	v10 =	vld.idx.msk [tilespmem:v10+s11+$0x0], $0xffff  }
0x5f: {  	v4 =	vor.u32 $0x6, v1;
	v15 =	vor.u32 v0, v17;
	v11 =	vld.idx.msk [tilespmem:v11+s11+$0x0], $0xffff;
	[tilespmem:s24+$0xE560] =	vst v13  }
0x60: {  	v13 =	vadd.s32 v2, v15;
	[tilespmem:s24+$0xE5E0] =	vst v3;
	v9 =	vld.idx.msk [tilespmem:v9+s11+$0x0], $0xffff  }
0x61: {  	[tilespmem:s24+$0xE460] =	vst v6;
	v3 =	vor.u32 $0x7, v13;
	v14 =	vld.idx.msk [tilespmem:v14+s11+$0x0], $0xffff  }
0x62: {  	v7 =	vor.u32 $0x1, v13;
	v5 =	vld.idx.msk [tilespmem:v5+s11+$0x0], $0xffff;
	[tilespmem:s24+$0xE6E0] =	vst v8  }
0x63: {  	s28 =	sor.u32 $0x10, s31;
	v8 =	vor.u32 $0x2, v13;
	v15 =	vld.idx.msk [tilespmem:v16+s11+$0x0], $0xffff;
	[tilespmem:s24+$0xE760] =	vst v10  }
0x64: {  	[tilespmem:s24+$0xE7F0] =	vst v12;
	v12 =	vmov s28;
	v16 =	vor.u32 $0x4, v13;
	v4 =	vld.idx.msk [tilespmem:v4+s11+$0x0], $0xffff  }
0x65: {  	v12 =	vshll.u32 v12, $0x5;
	v17 =	vor.u32 $0x5, v13;
	[tilespmem:s24+$0xE4F0] =	vst v11;
	v6 =	vld.idx.msk [tilespmem:v13+s11+$0x0], $0xffff  }
0x66: {  	v10 =	vor.u32 $0x3, v13;
	v11 =	vor.u32 v0, v12;
	v3 =	vld.idx.msk [tilespmem:v3+s11+$0x0], $0xffff;
	[tilespmem:s24+$0xE570] =	vst v9  }
0x67: {  	v12 =	vor.u32 $0x6, v13;
	v9 =	vadd.s32 v2, v11;
	v7 =	vld.idx.msk [tilespmem:v7+s11+$0x0], $0xffff;
	[tilespmem:s24+$0xE5F0] =	vst v14  }
0x68: {  	s28 =	simm.s32 $0x400;
	[tilespmem:s24+$0xE670] =	vst v5;
	v8 =	vld.idx.msk [tilespmem:v8+s11+$0x0], $0xffff;
	v11 =	vor.u32 $0x7, v9  }
0x69: {  	s26 =	sshll.u32 s30, $0xA;
	s28 =	sand.u32 $0x3FFFF000, s28;
	v13 =	vor.u32 $0x1, v9;
	[tilespmem:s24+$0xE6F0] =	vst v15;
	v14 =	vld.idx.msk [tilespmem:v16+s11+$0x0], $0xffff  }
0x6a: {  	s26 =	sor.u32 s26, s28;
	v16 =	vld.idx.msk [tilespmem:v17+s11+$0x0], $0xffff;
	[tilespmem:s24+$0xE770] =	vst v4  }
0x6b: {  	s29 =	sor.u32 $0x20, s31;
	v5 =	vld.idx.msk [tilespmem:v10+s11+$0x0], $0xffff;
	v10 =	vor.u32 $0x2, v9;
	[tilespmem:s26+$0xE400] =	vst v6  }
0x6c: {  	v15 =	vor.u32 $0x3, v9;
	v12 =	vld.idx.msk [tilespmem:v12+s11+$0x0], $0xffff;
	v4 =	vmov s29;
	[tilespmem:s26+$0xE780] =	vst v3  }
0x6d: {  	v17 =	vor.u32 $0x4, v9;
	v4 =	vshll.u32 v4, $0x5;
	[tilespmem:s26+$0xE480] =	vst v7;
	v7 =	vld.idx.msk [tilespmem:v11+s11+$0x0], $0xffff  }
0x6e: {  	v3 =	vor.u32 $0x5, v9;
	v4 =	vor.u32 v0, v4;
	v13 =	vld.idx.msk [tilespmem:v13+s11+$0x0], $0xffff;
	[tilespmem:s26+$0xE500] =	vst v8  }
0x6f: {  	v11 =	vor.u32 $0x6, v9;
	v9 =	vld.idx.msk [tilespmem:v9+s11+$0x0], $0xffff;
	v4 =	vadd.s32 v2, v4;
	[tilespmem:s26+$0xE600] =	vst v14  }
0x70: {  	v8 =	vld.idx.msk [tilespmem:v10+s11+$0x0], $0xffff;
	[tilespmem:s26+$0xE580] =	vst v5;
	v5 =	vor.u32 $0x7, v4  }
0x71: {  	[tilespmem:s26+$0xE680] =	vst v16;
	v14 =	vor.u32 $0x1, v4;
	v10 =	vld.idx.msk [tilespmem:v15+s11+$0x0], $0xffff  }
0x72: {  	[tilespmem:s26+$0xE700] =	vst v12;
	v15 =	vld.idx.msk [tilespmem:v17+s11+$0x0], $0xffff  }
0x73: {  	s28 =	sor.u32 $0x30, s31;
	v16 =	vor.u32 $0x2, v4;
	v3 =	vld.idx.msk [tilespmem:v3+s11+$0x0], $0xffff;
	[tilespmem:s26+$0xE790] =	vst v7  }
0x74: {  	v12 =	vor.u32 $0x3, v4;
	v17 =	vmov s28;
	v11 =	vld.idx.msk [tilespmem:v11+s11+$0x0], $0xffff;
	[tilespmem:s26+$0xE490] =	vst v13  }
0x75: {  	v17 =	vshll.u32 v17, $0x5;
	v7 =	vor.u32 $0x4, v4;
	[tilespmem:s26+$0xE410] =	vst v9;
	v5 =	vld.idx.msk [tilespmem:v5+s11+$0x0], $0xffff  }
0x76: {  	v6 =	vor.u32 v0, v17;
	v17 =	vor.u32 $0x5, v4;
	v13 =	vld.idx.msk [tilespmem:v14+s11+$0x0], $0xffff;
	[tilespmem:s26+$0xE510] =	vst v8  }
0x77: {  	v6 =	vadd.s32 v2, v6;
	v14 =	vor.u32 $0x6, v4;
	v4 =	vld.idx.msk [tilespmem:v4+s11+$0x0], $0xffff;
	[tilespmem:s26+$0xE590] =	vst v10  }
0x78: {  	v8 =	vor.u32 $0x7, v6;
	v16 =	vld.idx.msk [tilespmem:v16+s11+$0x0], $0xffff;
	[tilespmem:s26+$0xE610] =	vst v15  }
0x79: {  	s28 =	sor.u32 $0x40, s31;
	v10 =	vld.idx.msk [tilespmem:v12+s11+$0x0], $0xffff;
	[tilespmem:s26+$0xE690] =	vst v3  }
0x7a: {  	v15 =	vmov s28;
	v12 =	vor.u32 $0x1, v6;
	v7 =	vld.idx.msk [tilespmem:v7+s11+$0x0], $0xffff;
	[tilespmem:s26+$0xE710] =	vst v11  }
0x7b: {  	v3 =	vor.u32 $0x2, v6;
	v15 =	vshll.u32 v15, $0x5;
	v17 =	vld.idx.msk [tilespmem:v17+s11+$0x0], $0xffff;
	[tilespmem:s26+$0xE7A0] =	vst v5  }
0x7c: {  	v15 =	vor.u32 v0, v15;
	v11 =	vor.u32 $0x4, v6;
	v14 =	vld.idx.msk [tilespmem:v14+s11+$0x0], $0xffff;
	[tilespmem:s26+$0xE4A0] =	vst v13  }
0x7d: {  	v9 =	vadd.s32 v2, v15;
	v15 =	vor.u32 $0x5, v6;
	[tilespmem:s26+$0xE420] =	vst v4;
	v8 =	vld.idx.msk [tilespmem:v8+s11+$0x0], $0xffff  }
0x7e: {  	v5 =	vor.u32 $0x3, v6;
	[tilespmem:s26+$0xE520] =	vst v16;
	v16 =	vor.u32 $0x6, v6;
	v6 =	vld.idx.msk [tilespmem:v6+s11+$0x0], $0xffff  }
0x7f: {  	v12 =	vld.idx.msk [tilespmem:v12+s11+$0x0], $0xffff;
	[tilespmem:s26+$0xE5A0] =	vst v10  }
0x80: {  	v13 =	vor.u32 $0x7, v9;
	v3 =	vld.idx.msk [tilespmem:v3+s11+$0x0], $0xffff;
	[tilespmem:s26+$0xE620] =	vst v7  }
0x81: {  	[tilespmem:s26+$0xE6A0] =	vst v17;
	v11 =	vld.idx.msk [tilespmem:v11+s11+$0x0], $0xffff  }
0x82: {  	s28 =	sor.u32 $0x50, s31;
	v7 =	vor.u32 $0x1, v9;
	v15 =	vld.idx.msk [tilespmem:v15+s11+$0x0], $0xffff;
	[tilespmem:s26+$0xE720] =	vst v14  }
0x83: {  	v10 =	vmov s28;
	v5 =	vld.idx.msk [tilespmem:v5+s11+$0x0], $0xffff;
	[tilespmem:s26+$0xE7B0] =	vst v8;
	v8 =	vor.u32 $0x2, v9  }
0x84: {  	v10 =	vshll.u32 v10, $0x5;
	v4 =	vld.idx.msk [tilespmem:v16+s11+$0x0], $0xffff;
	v16 =	vor.u32 $0x4, v9;
	[tilespmem:s26+$0xE430] =	vst v6  }
0x85: {  	v17 =	vor.u32 $0x3, v9;
	v10 =	vor.u32 v0, v10;
	v13 =	vld.idx.msk [tilespmem:v13+s11+$0x0], $0xffff;
	[tilespmem:s26+$0xE4B0] =	vst v12  }
0x86: {  	v18 =	vor.u32 $0x6, v9;
	v10 =	vadd.s32 v2, v10;
	v12 =	vor.u32 $0x5, v9;
	[tilespmem:s26+$0xE530] =	vst v3;
	v9 =	vld.idx.msk [tilespmem:v9+s11+$0x0], $0xffff  }
0x87: {  	v14 =	vor.u32 $0x7, v10;
	v7 =	vld.idx.msk [tilespmem:v7+s11+$0x0], $0xffff;
	[tilespmem:s26+$0xE630] =	vst v11  }
0x88: {  	s28 =	sor.u32 $0x60, s31;
	[tilespmem:s26+$0xE6B0] =	vst v15;
	v8 =	vld.idx.msk [tilespmem:v8+s11+$0x0], $0xffff  }
0x89: {  	v3 =	vmov s28;
	[tilespmem:s26+$0xE5B0] =	vst v5;
	v16 =	vld.idx.msk [tilespmem:v16+s11+$0x0], $0xffff  }
0x8a: {  	v3 =	vshll.u32 v3, $0x5;
	v5 =	vld.idx.msk [tilespmem:v17+s11+$0x0], $0xffff;
	[tilespmem:s26+$0xE7C0] =	vst v13;
	v13 =	vor.u32 $0x1, v10  }
0x8b: {  	v3 =	vor.u32 v0, v3;
	v15 =	vor.u32 $0x3, v10;
	[tilespmem:s26+$0xE730] =	vst v4;
	v12 =	vld.idx.msk [tilespmem:v12+s11+$0x0], $0xffff  }
0x8c: {  	v3 =	vadd.s32 v2, v3;
	[tilespmem:s26+$0xE440] =	vst v9;
	v11 =	vld.idx.msk [tilespmem:v14+s11+$0x0], $0xffff;
	v14 =	vor.u32 $0x2, v10  }
0x8d: {  	v4 =	vor.u32 $0x7, v3;
	v6 =	vld.idx.msk [tilespmem:v18+s11+$0x0], $0xffff;
	[tilespmem:s26+$0xE4C0] =	vst v7  }
0x8e: {  	s23 =	sor.u32 $0x70, s31;
	v17 =	vor.u32 $0x4, v10;
	[tilespmem:s26+$0xE640] =	vst v16;
	v16 =	vld.idx.msk [tilespmem:v10+s11+$0x0], $0xffff  }
0x8f: {  	v18 =	vmov s23;
	v7 =	vor.u32 $0x5, v10;
	[tilespmem:s26+$0xE5C0] =	vst v5;
	v13 =	vld.idx.msk [tilespmem:v13+s11+$0x0], $0xffff  }
0x90: {  	v18 =	vshll.u32 v18, $0x5;
	[tilespmem:s26+$0xE540] =	vst v8;
	v8 =	vor.u32 $0x6, v10;
	v21 =	vld.idx.msk [tilespmem:v15+s11+$0x0], $0xffff  }
0x91: {  	v20 =	vor.u32 $0x1, v3;
	v19 =	vld.idx.msk [tilespmem:v14+s11+$0x0], $0xffff;
	[tilespmem:s26+$0xE7D0] =	vst v11;
	v11 =	vor.u32 v0, v18  }
0x92: {  	v23 =	vor.u32 $0x2, v3;
	v5 =	vld.idx.msk [tilespmem:v4+s11+$0x0], $0xffff;
	v4 =	vadd.s32 v2, v11  }
0x93: {  	[tilespmem:s26+$0xE6C0] =	vst v12;
	v2 =	vld.idx.msk [tilespmem:v17+s11+$0x0], $0xffff;
	v22 =	vor.u32 $0x7, v4  }
0x94: {  	[tilespmem:s26+$0xE740] =	vst v6;
	v14 =	vor.u32 $0x3, v3;
	v17 =	vld.idx.msk [tilespmem:v7+s11+$0x0], $0xffff  }
0x95: {  	v18 =	vld.idx.msk [tilespmem:v8+s11+$0x0], $0xffff;
	[tilespmem:s26+$0xE4D0] =	vst v13;
	v13 =	vor.u32 $0x4, v3  }
0x96: {  	v10 =	vor.u32 $0x6, v3;
	v11 =	vor.u32 $0x5, v3;
	v15 =	vld.idx.msk [tilespmem:v20+s11+$0x0], $0xffff;
	[tilespmem:s26+$0xE550] =	vst v19  }
0x97: {  	v12 =	vor.u32 $0x1, v4;
	v9 =	vor.u32 $0x2, v4;
	v7 =	vor.u32 $0x4, v4;
	[tilespmem:s26+$0xE7E0] =	vst v5;
	v19 =	vld.idx.msk [tilespmem:v23+s11+$0x0], $0xffff  }
0x98: {  	s28 =	simm.s32 $0x8;
	s23 =	sshll.u32 s22, $0xC;
	v6 =	vor.u32 $0x5, v4;
	v8 =	vor.u32 $0x3, v4;
	[tilespmem:s26+$0xE5D0] =	vst v21;
	v5 =	vor.u32 $0x6, v4;
	v20 =	vld.idx.msk [tilespmem:v22+s11+$0x0], $0xffff  }
.LBB2_3:
0x99: {  	s28 =	sadd.s32 $0x8, s28;
	v14 =	vld.idx.msk [tilespmem:v14+s11+$0x0], $0xffff;
	[tilespmem:s26+$0xE650] =	vst v2  }
0x9a: {  	s25 =	sadd.s32 $0x1, s25;
	s29 =	sshrl.u32 s28, $0x2;
	p1 =	slt.u32 s28, $0x78;
	v13 =	vld.idx.msk [tilespmem:v13+s11+$0x0], $0xffff;
	[tilespmem:s26+$0xE6D0] =	vst v17  }
0x9b: {  	s30 =	sand.u32 $0x3, s25;
	v2 =	vmov s29;
	v11 =	vld.idx.msk [tilespmem:v11+s11+$0x0], $0xffff;
	[tilespmem:s26+$0xE750] =	vst v18  }
0x9c: {  	s29 =	sshll.u32 s30, $0x7;
	v2 =	vshrl.u32 v2, $0x3;
	[tilespmem:s26+$0xE450] =	vst v16;
	v10 =	vld.idx.msk [tilespmem:v10+s11+$0x0], $0xffff  }
0x9d: {  	v16 =	vmov s29;
	v2 =	vshll.u32 v2, $0x3;
	v3 =	vld.idx.msk [tilespmem:v3+s11+$0x0], $0xffff;
	[tilespmem:s26+$0xE7F0] =	vst v20  }
0x9e: {  	v16 =	vshll.u32 v16, $0x5;
	v2 =	vbroadcast v2, $0x0;
	[tilespmem:s26+$0xE4E0] =	vst v15;
	v15 =	vld.idx.msk [tilespmem:v1+s11+$0x0], $0xffff;
	v1 =	vmov v4  }
0x9f: {  	v4 =	vor.u32 v0, v16;
	v12 =	vld.idx.msk [tilespmem:v12+s11+$0x0], $0xffff;
	[tilespmem:s26+$0xE560] =	vst v19  }
0xa0: {  	v4 =	vadd.s32 v2, v4;
	v9 =	vld.idx.msk [tilespmem:v9+s11+$0x0], $0xffff;
	[tilespmem:s26+$0xE5E0] =	vst v14  }
0xa1: {  	v14 =	vor.u32 $0x1, v4;
	v16 =	vor.u32 $0x2, v4;
	v17 =	vor.u32 $0x7, v4;
	v8 =	vld.idx.msk [tilespmem:v8+s11+$0x0], $0xffff;
	[tilespmem:s26+$0xE660] =	vst v13  }
0xa2: {  	v13 =	vor.u32 $0x3, v4;
	v18 =	vor.u32 $0x4, v4;
	v19 =	vor.u32 $0x5, v4;
	v7 =	vld.idx.msk [tilespmem:v7+s11+$0x0], $0xffff;
	[tilespmem:s26+$0xE6E0] =	vst v11  }
0xa3: {  	s31 =	sor.u32 $0x10, s29;
	v11 =	vor.u32 $0x6, v4;
	v6 =	vld.idx.msk [tilespmem:v6+s11+$0x0], $0xffff;
	[tilespmem:s26+$0xE760] =	vst v10  }
0xa4: {  	v10 =	vmov s31;
	[tilespmem:s26+$0xE460] =	vst v3;
	v3 =	vld.idx.msk [tilespmem:v5+s11+$0x0], $0xffff  }
0xa5: {  	v5 =	vshll.u32 v10, $0x5;
	v4 =	vld.idx.msk [tilespmem:v4+s11+$0x0], $0xffff;
	[tilespmem:s26+$0xE4F0] =	vst v12  }
0xa6: {  	v5 =	vor.u32 v0, v5;
	v10 =	vld.idx.msk [tilespmem:v17+s11+$0x0], $0xffff;
	[tilespmem:s26+$0xE570] =	vst v9  }
0xa7: {  	v5 =	vadd.s32 v2, v5;
	v9 =	vld.idx.msk [tilespmem:v14+s11+$0x0], $0xffff;
	[tilespmem:s26+$0xE5F0] =	vst v8  }
0xa8: {  	v8 =	vor.u32 $0x1, v5;
	v14 =	vor.u32 $0x2, v5;
	v12 =	vld.idx.msk [tilespmem:v16+s11+$0x0], $0xffff;
	v16 =	vor.u32 $0x7, v5;
	[tilespmem:s26+$0xE670] =	vst v7  }
0xa9: {  	s31 =	sshll.u32 s28, $0x7;
	v17 =	vor.u32 $0x4, v5;
	v20 =	vor.u32 $0x5, v5;
	v7 =	vld.idx.msk [tilespmem:v13+s11+$0x0], $0xffff;
	v13 =	vor.u32 $0x3, v5;
	[tilespmem:s26+$0xE6F0] =	vst v6  }
0xaa: {  	s30 =	sshll.u32 s30, $0xA;
	s1 =	sor.u32 $0x20, s29;
	s31 =	sand.u32 $0x3FFFF000, s31;
	v6 =	vld.idx.msk [tilespmem:v18+s11+$0x0], $0xffff;
	v18 =	vor.u32 $0x6, v5;
	[tilespmem:s26+$0xE770] =	vst v3  }
0xab: {  	v3 =	vmov s1;
	v19 =	vld.idx.msk [tilespmem:v19+s11+$0x0], $0xffff;
	[tilespmem:s24+$0xE470] =	vst v15;
	s24 =	smov.u32 s26;
	s26 =	sor.u32 s30, s31  }
0xac: {  	v3 =	vshll.u32 v3, $0x5;
	v11 =	vld.idx.msk [tilespmem:v11+s11+$0x0], $0xffff;
	[tilespmem:s26+$0xE780] =	vst v10  }
0xad: {  	v3 =	vor.u32 v0, v3;
	[tilespmem:s26+$0xE480] =	vst v9;
	v9 =	vld.idx.msk [tilespmem:v16+s11+$0x0], $0xffff  }
0xae: {  	v3 =	vadd.s32 v2, v3;
	v8 =	vld.idx.msk [tilespmem:v8+s11+$0x0], $0xffff;
	[tilespmem:s26+$0xE500] =	vst v12  }
0xaf: {  	v10 =	vor.u32 $0x1, v3;
	v12 =	vld.idx.msk [tilespmem:v14+s11+$0x0], $0xffff;
	v14 =	vor.u32 $0x2, v3;
	[tilespmem:s26+$0xE580] =	vst v7;
	v7 =	vor.u32 $0x7, v3  }
0xb0: {  	v15 =	vor.u32 $0x3, v3;
	v16 =	vor.u32 $0x5, v3;
	v13 =	vld.idx.msk [tilespmem:v13+s11+$0x0], $0xffff;
	[tilespmem:s26+$0xE600] =	vst v6;
	v6 =	vor.u32 $0x4, v3  }
0xb1: {  	s1 =	sor.u32 $0x30, s29;
	v17 =	vld.idx.msk [tilespmem:v17+s11+$0x0], $0xffff;
	[tilespmem:s26+$0xE680] =	vst v19;
	v19 =	vor.u32 $0x6, v3  }
0xb2: {  	v21 =	vmov s1;
	v20 =	vld.idx.msk [tilespmem:v20+s11+$0x0], $0xffff;
	[tilespmem:s26+$0xE700] =	vst v11  }
0xb3: {  	v11 =	vshll.u32 v21, $0x5;
	v18 =	vld.idx.msk [tilespmem:v18+s11+$0x0], $0xffff;
	[tilespmem:s26+$0xE790] =	vst v9  }
0xb4: {  	[tilespmem:s26+$0xE400] =	vst v4;
	v4 =	vor.u32 v0, v11;
	v7 =	vld.idx.msk [tilespmem:v7+s11+$0x0], $0xffff  }
0xb5: {  	v5 =	vld.idx.msk [tilespmem:v5+s11+$0x0], $0xffff;
	v4 =	vadd.s32 v2, v4;
	[tilespmem:s26+$0xE490] =	vst v8  }
0xb6: {  	v8 =	vld.idx.msk [tilespmem:v10+s11+$0x0], $0xffff;
	v9 =	vor.u32 $0x1, v4;
	[tilespmem:s26+$0xE510] =	vst v12;
	v10 =	vor.u32 $0x2, v4;
	v11 =	vor.u32 $0x7, v4  }
0xb7: {  	v21 =	vor.u32 $0x5, v4;
	v12 =	vld.idx.msk [tilespmem:v14+s11+$0x0], $0xffff;
	[tilespmem:s26+$0xE590] =	vst v13;
	v13 =	vor.u32 $0x3, v4;
	v14 =	vor.u32 $0x4, v4  }
0xb8: {  	s1 =	sor.u32 $0x40, s29;
	v15 =	vld.idx.msk [tilespmem:v15+s11+$0x0], $0xffff;
	[tilespmem:s26+$0xE610] =	vst v17;
	v17 =	vor.u32 $0x6, v4  }
0xb9: {  	v22 =	vmov s1;
	v6 =	vld.idx.msk [tilespmem:v6+s11+$0x0], $0xffff;
	[tilespmem:s26+$0xE690] =	vst v20  }
0xba: {  	v20 =	vshll.u32 v22, $0x5;
	v16 =	vld.idx.msk [tilespmem:v16+s11+$0x0], $0xffff;
	[tilespmem:s26+$0xE7A0] =	vst v7  }
0xbb: {  	v7 =	vor.u32 v0, v20;
	[tilespmem:s26+$0xE710] =	vst v18;
	v11 =	vld.idx.msk [tilespmem:v11+s11+$0x0], $0xffff  }
0xbc: {  	[tilespmem:s26+$0xE410] =	vst v5;
	v5 =	vadd.s32 v2, v7;
	v7 =	vld.idx.msk [tilespmem:v19+s11+$0x0], $0xffff  }
0xbd: {  	v3 =	vld.idx.msk [tilespmem:v3+s11+$0x0], $0xffff;
	[tilespmem:s26+$0xE4A0] =	vst v8;
	v8 =	vor.u32 $0x1, v5;
	v18 =	vor.u32 $0x2, v5;
	v19 =	vor.u32 $0x7, v5  }
0xbe: {  	v20 =	vor.u32 $0x4, v5;
	v22 =	vor.u32 $0x5, v5;
	v9 =	vld.idx.msk [tilespmem:v9+s11+$0x0], $0xffff;
	[tilespmem:s26+$0xE520] =	vst v12;
	v12 =	vor.u32 $0x3, v5  }
0xbf: {  	s1 =	sor.u32 $0x50, s29;
	v10 =	vld.idx.msk [tilespmem:v10+s11+$0x0], $0xffff;
	[tilespmem:s26+$0xE5A0] =	vst v15;
	v15 =	vor.u32 $0x6, v5  }
0xc0: {  	v23 =	vmov s1;
	v13 =	vld.idx.msk [tilespmem:v13+s11+$0x0], $0xffff;
	[tilespmem:s26+$0xE620] =	vst v6  }
0xc1: {  	v6 =	vshll.u32 v23, $0x5;
	v14 =	vld.idx.msk [tilespmem:v14+s11+$0x0], $0xffff;
	[tilespmem:s26+$0xE7B0] =	vst v11  }
0xc2: {  	v6 =	vor.u32 v0, v6;
	[tilespmem:s26+$0xE6A0] =	vst v16;
	v11 =	vld.idx.msk [tilespmem:v19+s11+$0x0], $0xffff  }
0xc3: {  	v16 =	vadd.s32 v2, v6;
	v6 =	vld.idx.msk [tilespmem:v21+s11+$0x0], $0xffff;
	[tilespmem:s26+$0xE720] =	vst v7  }
0xc4: {  	v7 =	vor.u32 $0x1, v16;
	v19 =	vor.u32 $0x2, v16;
	[tilespmem:s26+$0xE420] =	vst v3;
	v17 =	vld.idx.msk [tilespmem:v17+s11+$0x0], $0xffff;
	v3 =	vor.u32 $0x7, v16  }
0xc5: {  	v21 =	vor.u32 $0x4, v16;
	v23 =	vor.u32 $0x5, v16;
	v4 =	vld.idx.msk [tilespmem:v4+s11+$0x0], $0xffff;
	[tilespmem:s26+$0xE4B0] =	vst v9;
	v9 =	vor.u32 $0x3, v16  }
0xc6: {  	s1 =	sor.u32 $0x60, s29;
	v24 =	vor.u32 $0x6, v16;
	v8 =	vld.idx.msk [tilespmem:v8+s11+$0x0], $0xffff;
	[tilespmem:s26+$0xE530] =	vst v10  }
0xc7: {  	v10 =	vmov s1;
	v18 =	vld.idx.msk [tilespmem:v18+s11+$0x0], $0xffff;
	[tilespmem:s26+$0xE5B0] =	vst v13  }
0xc8: {  	v10 =	vshll.u32 v10, $0x5;
	v12 =	vld.idx.msk [tilespmem:v12+s11+$0x0], $0xffff;
	[tilespmem:s26+$0xE7C0] =	vst v11  }
0xc9: {  	v10 =	vor.u32 v0, v10;
	[tilespmem:s26+$0xE630] =	vst v14;
	v25 =	vld.idx.msk [tilespmem:v3+s11+$0x0], $0xffff  }
0xca: {  	v3 =	vadd.s32 v2, v10;
	v20 =	vld.idx.msk [tilespmem:v20+s11+$0x0], $0xffff;
	[tilespmem:s26+$0xE6B0] =	vst v6  }
0xcb: {  	v26 =	vor.u32 $0x1, v3;
	v27 =	vor.u32 $0x2, v3;
	v6 =	vld.idx.msk [tilespmem:v22+s11+$0x0], $0xffff;
	[tilespmem:s26+$0xE730] =	vst v17;
	v17 =	vor.u32 $0x7, v3  }
0xcc: {  	v14 =	vor.u32 $0x3, v3;
	v13 =	vor.u32 $0x4, v3;
	v11 =	vor.u32 $0x5, v3;
	[tilespmem:s26+$0xE430] =	vst v4;
	v15 =	vld.idx.msk [tilespmem:v15+s11+$0x0], $0xffff  }
0xcd: {  	s1 =	sor.u32 $0x70, s29;
	v10 =	vor.u32 $0x6, v3;
	v5 =	vld.idx.msk [tilespmem:v5+s11+$0x0], $0xffff;
	[tilespmem:s26+$0xE4C0] =	vst v8  }
0xce: {  	v4 =	vmov s1;
	v22 =	vld.idx.msk [tilespmem:v7+s11+$0x0], $0xffff;
	[tilespmem:s26+$0xE540] =	vst v18  }
0xcf: {  	v4 =	vshll.u32 v4, $0x5;
	v19 =	vld.idx.msk [tilespmem:v19+s11+$0x0], $0xffff;
	[tilespmem:s26+$0xE7D0] =	vst v25  }
0xd0: {  	v4 =	vor.u32 v0, v4;
	[tilespmem:s26+$0xE5C0] =	vst v12;
	v25 =	vld.idx.msk [tilespmem:v17+s11+$0x0], $0xffff  }
0xd1: {  	v4 =	vadd.s32 v2, v4;
	v28 =	vld.idx.msk [tilespmem:v9+s11+$0x0], $0xffff;
	[tilespmem:s26+$0xE640] =	vst v20  }
0xd2: {  	v12 =	vor.u32 $0x1, v4;
	v9 =	vor.u32 $0x2, v4;
	v20 =	vor.u32 $0x7, v4;
	v2 =	vld.idx.msk [tilespmem:v21+s11+$0x0], $0xffff;
	[tilespmem:s26+$0xE6C0] =	vst v6  }
0xd3: {  	v8 =	vor.u32 $0x3, v4;
	v7 =	vor.u32 $0x4, v4;
	v6 =	vor.u32 $0x5, v4;
	v17 =	vld.idx.msk [tilespmem:v23+s11+$0x0], $0xffff;
	[tilespmem:s26+$0xE740] =	vst v15  }
.Ltmp2:
0xd4: {  	[tilespmem:s26+$0xE440] =	vst v5;
	v18 =	vld.idx.msk [tilespmem:v24+s11+$0x0], $0xffff;
	v5 =	vor.u32 $0x6, v4;
	(pc) =	sbr.rel @p1 .LBB2_3-.Ltmp2, $4  }
0xd5: {  	v16 =	vld.idx.msk [tilespmem:v16+s11+$0x0], $0xffff;
	[tilespmem:s26+$0xE4D0] =	vst v22  }
0xd6: {  	v15 =	vld.idx.msk [tilespmem:v26+s11+$0x0], $0xffff;
	[tilespmem:s26+$0xE7E0] =	vst v25  }
0xd7: {  	[tilespmem:s26+$0xE550] =	vst v19;
	v20 =	vld.idx.msk [tilespmem:v20+s11+$0x0], $0xffff  }
0xd8: {  	v19 =	vld.idx.msk [tilespmem:v27+s11+$0x0], $0xffff;
	[tilespmem:s26+$0xE5D0] =	vst v28  }
0xd9: {  	_ =	sdelay $0x1  }
0xda: {  	[tilespmem:s26+$0xE650] =	vst v2  }
0xdb: {  	[tilespmem:s26+$0xE6D0] =	vst v17  }
0xdc: {  	v2 =	vld.idx.msk [tilespmem:v14+s11+$0x0], $0xffff;
	[tilespmem:s26+$0xE750] =	vst v18  }
0xdd: {  	v1 =	vld.idx.msk [tilespmem:v1+s11+$0x0], $0xffff;
	[tilespmem:s26+$0xE450] =	vst v16  }
0xde: {  	v13 =	vld.idx.msk [tilespmem:v13+s11+$0x0], $0xffff;
	[tilespmem:s26+$0xE4E0] =	vst v15  }
0xdf: {  	v11 =	vld.idx.msk [tilespmem:v11+s11+$0x0], $0xffff;
	[tilespmem:s26+$0xE7F0] =	vst v20  }
0xe0: {  	v10 =	vld.idx.msk [tilespmem:v10+s11+$0x0], $0xffff;
	[tilespmem:s26+$0xE560] =	vst v19  }
0xe1: {  	v3 =	vld.idx.msk [tilespmem:v3+s11+$0x0], $0xffff;
	[tilespmem:s26+$0xE5E0] =	vst v2  }
0xe2: {  	v12 =	vld.idx.msk [tilespmem:v12+s11+$0x0], $0xffff;
	[tilespmem:s24+$0xE470] =	vst v1  }
0xe3: {  	v2 =	vld.idx.msk [tilespmem:v9+s11+$0x0], $0xffff;
	[tilespmem:s26+$0xE660] =	vst v13  }
0xe4: {  	v8 =	vld.idx.msk [tilespmem:v8+s11+$0x0], $0xffff;
	[tilespmem:s26+$0xE6E0] =	vst v11  }
0xe5: {  	[tilespmem:s26+$0xE760] =	vst v10;
	v7 =	vld.idx.msk [tilespmem:v7+s11+$0x0], $0xffff  }
0xe6: {  	v6 =	vld.idx.msk [tilespmem:v6+s11+$0x0], $0xffff;
	[tilespmem:s26+$0xE460] =	vst v3  }
0xe7: {  	v3 =	vld.idx.msk [tilespmem:v5+s11+$0x0], $0xffff;
	[tilespmem:s26+$0xE4F0] =	vst v12  }
0xe8: {  	[tilespmem:s26+$0xE570] =	vst v2;
	v2 =	vld.idx.msk [tilespmem:v4+s11+$0x0], $0xffff  }
0xe9: {  	p1 =	sne.s32 s22, $0x18;
	[tilespmem:s26+$0xE5F0] =	vst v8  }
.Ltmp3:
0xea: {  	[tilespmem:s26+$0xE670] =	vst v7;
	(pc) =	sbr.rel @p1 .LBB2_6-.Ltmp3, $4  }
0xeb: {  	s1 =	sshll.u32 s22, $0x11;
	[tilespmem:s26+$0xE6F0] =	vst v6  }
0xec: {  	s24 =	sor.u32 s6, s1;
	[tilespmem:s26+$0xE770] =	vst v3  }
0xed: {  	s1 =	sadd.s32 s2, s24;
	[tilespmem:s26+$0xE470] =	vst v2  }
0xee: {  	[hbm4b:s1+s14] =	stream.strided.scatter [tilespmem:s16], [sflag:$0x3], $0x4000, s15, s14, $0x38;
	[tilespmem:$0x16400] =	vst v63  }
.Ltmp4:
0xef: {  	(pc) =	sbr.rel .LBB2_7-.Ltmp4, $4  }
0xf0: {  	_ = 	snop  }
0xf1: {  	_ =	swait.ge [sflag:s17], $0x4000  }
0xf2: {  	[sflag:s17] =	ssyncset.done $0x0  }
0xf3: {  	[sflag:s17] =	ssyncadd.s32 $0xFFFFC000  }
.LBB2_6:
0xf4: {  	s1 =	sshrl.u32 s23, $0x2  }
.Ltmp5:
0xf5: {  	s1 =	sadd.s32 $0x400, s1;
	(pc) =	sbr.rel @p0 .LBB2_8-.Ltmp5, $4  }
0xf6: {  	[tilespmem:s11], [sflag:$0x1] =	stream.indirect.gather [hbm4b:s4+s10], $0x20, s1, s10, $0xb8;
	[tilespmem:$0x16400] =	vst v63  }
0xf7: {  	_ =	swait.ge [sflag:s17], $0x4000  }
0xf8: {  	[sflag:s17] =	ssyncset.done $0x0  }
0xf9: {  	[sflag:s17] =	ssyncadd.s32 $0xFFFFC000  }
.LBB2_7:
0xfa: {  	_ =	swait.ge [sflag:s18], $0x4000  }
0xfb: {  	[sflag:s18] =	ssyncset.done $0x0  }
0xfc: {  	[sflag:s18] =	ssyncadd.s32 $0xFFFFC000  }
.LBB2_8:
0xfd: {  	s25 =	simm.s32 $0x0;
	s1 =	simm.s32 $0x0  }
0xfe: {  	s26 =	sand.u32 $0x3, s25;
	v1 =	vmov s1  }
0xff: {  	s28 =	sshll.u32 s26, $0x7;
	v1 =	vshrl.u32 v1, $0x3  }
0x100: {  	v2 =	vmov s28;
	v1 =	vshll.u32 v1, $0x3  }
0x101: {  	v2 =	vshll.u32 v2, $0x5;
	v1 =	vbroadcast v1, $0x0  }
0x102: {  	v2 =	vor.u32 v0, v2  }
0x103: {  	v2 =	vadd.s32 v1, v2  }
0x104: {  	v3 =	vor.u32 $0x7, v2  }
0x105: {  	v4 =	vor.u32 $0x1, v2  }
0x106: {  	s31 =	sor.u32 $0x10, s28;
	v5 =	vor.u32 $0x2, v2  }
0x107: {  	v7 =	vmov s31;
	v6 =	vor.u32 $0x3, v2  }
0x108: {  	v7 =	vshll.u32 v7, $0x5;
	v8 =	vor.u32 $0x4, v2;
	v9 =	vld.idx.msk [tilespmem:v2+s12+$0x0], $0xffff  }
0x109: {  	v7 =	vor.u32 v0, v7;
	v10 =	vor.u32 $0x5, v2;
	v3 =	vld.idx.msk [tilespmem:v3+s12+$0x0], $0xffff  }
0x10a: {  	v7 =	vadd.s32 v1, v7;
	v2 =	vor.u32 $0x6, v2;
	v4 =	vld.idx.msk [tilespmem:v4+s12+$0x0], $0xffff  }
0x10b: {  	s29 =	simm.s32 $0x0;
	v11 =	vor.u32 $0x7, v7;
	v5 =	vld.idx.msk [tilespmem:v5+s12+$0x0], $0xffff  }
0x10c: {  	s1 =	sand.u32 $0x3FFFF000, s29;
	s26 =	sshll.u32 s26, $0xA;
	v12 =	vor.u32 $0x1, v7;
	v6 =	vld.idx.msk [tilespmem:v6+s12+$0x0], $0xffff  }
0x10d: {  	s1 =	sor.u32 s26, s1;
	v13 =	vor.u32 $0x2, v7;
	v8 =	vld.idx.msk [tilespmem:v8+s12+$0x0], $0xffff  }
0x10e: {  	s26 =	sadd.s32 $0x12400, s1;
	v10 =	vld.idx.msk [tilespmem:v10+s12+$0x0], $0xffff;
	[tilespmem:s1+$0x12400] =	vst v9  }
0x10f: {  	v14 =	vor.u32 $0x3, v7;
	v2 =	vld.idx.msk [tilespmem:v2+s12+$0x0], $0xffff;
	[tilespmem:s26+$0x380] =	vst v3  }
0x110: {  	s29 =	sor.u32 $0x20, s28;
	[tilespmem:s26+$0x80] =	vst v4;
	v4 =	vld.idx.msk [tilespmem:v11+s12+$0x0], $0xffff  }
0x111: {  	v15 =	vor.u32 $0x4, v7;
	v9 =	vmov s29;
	[tilespmem:s26+$0x100] =	vst v5;
	v12 =	vld.idx.msk [tilespmem:v12+s12+$0x0], $0xffff  }
0x112: {  	v9 =	vshll.u32 v9, $0x5;
	v3 =	vor.u32 $0x5, v7;
	[tilespmem:s26+$0x180] =	vst v6;
	v5 =	vld.idx.msk [tilespmem:v13+s12+$0x0], $0xffff  }
0x113: {  	[tilespmem:s26+$0x200] =	vst v8;
	v9 =	vor.u32 v0, v9;
	v11 =	vor.u32 $0x6, v7;
	v7 =	vld.idx.msk [tilespmem:v7+s12+$0x0], $0xffff  }
0x114: {  	[tilespmem:s26+$0x280] =	vst v10;
	v13 =	vld.idx.msk [tilespmem:v14+s12+$0x0], $0xffff;
	v9 =	vadd.s32 v1, v9  }
0x115: {  	v6 =	vor.u32 $0x7, v9;
	[tilespmem:s26+$0x300] =	vst v2  }
0x116: {  	s30 =	sor.u32 $0x30, s28;
	v14 =	vld.idx.msk [tilespmem:v15+s12+$0x0], $0xffff;
	v8 =	vor.u32 $0x1, v9;
	[tilespmem:s26+$0x390] =	vst v4  }
0x117: {  	v15 =	vmov s30;
	v10 =	vor.u32 $0x2, v9;
	v3 =	vld.idx.msk [tilespmem:v3+s12+$0x0], $0xffff;
	[tilespmem:s26+$0x90] =	vst v12  }
0x118: {  	v15 =	vshll.u32 v15, $0x5;
	v2 =	vor.u32 $0x3, v9;
	v11 =	vld.idx.msk [tilespmem:v11+s12+$0x0], $0xffff;
	[tilespmem:s26+$0x10] =	vst v7  }
0x119: {  	v4 =	vor.u32 $0x4, v9;
	v12 =	vor.u32 $0x5, v9;
	[tilespmem:s26+$0x190] =	vst v13;
	v13 =	vor.u32 $0x6, v9;
	v9 =	vld.idx.msk [tilespmem:v9+s12+$0x0], $0xffff  }
0x11a: {  	v15 =	vor.u32 v0, v15;
	v6 =	vld.idx.msk [tilespmem:v6+s12+$0x0], $0xffff  }
0x11b: {  	v15 =	vadd.s32 v1, v15;
	[tilespmem:s26+$0x110] =	vst v5;
	v5 =	vld.idx.msk [tilespmem:v8+s12+$0x0], $0xffff  }
0x11c: {  	[tilespmem:s26+$0x210] =	vst v14;
	v8 =	vor.u32 $0x7, v15;
	v10 =	vld.idx.msk [tilespmem:v10+s12+$0x0], $0xffff  }
0x11d: {  	s31 =	sor.u32 $0x40, s28;
	v2 =	vld.idx.msk [tilespmem:v2+s12+$0x0], $0xffff;
	[tilespmem:s26+$0x290] =	vst v3  }
0x11e: {  	v14 =	vmov s31;
	v3 =	vor.u32 $0x1, v15;
	v4 =	vld.idx.msk [tilespmem:v4+s12+$0x0], $0xffff;
	[tilespmem:s26+$0x310] =	vst v11  }
0x11f: {  	v14 =	vshll.u32 v14, $0x5;
	v11 =	vor.u32 $0x2, v15;
	v12 =	vld.idx.msk [tilespmem:v12+s12+$0x0], $0xffff;
	[tilespmem:s26+$0x3A0] =	vst v6  }
0x120: {  	v7 =	vor.u32 v0, v14;
	v14 =	vor.u32 $0x4, v15;
	[tilespmem:s26+$0xA0] =	vst v5;
	v5 =	vld.idx.msk [tilespmem:v13+s12+$0x0], $0xffff  }
0x121: {  	[tilespmem:s26+$0x20] =	vst v9;
	v13 =	vor.u32 $0x5, v15;
	v8 =	vld.idx.msk [tilespmem:v8+s12+$0x0], $0xffff  }
0x122: {  	v7 =	vadd.s32 v1, v7;
	v6 =	vor.u32 $0x3, v15;
	[tilespmem:s26+$0x1A0] =	vst v2;
	v2 =	vor.u32 $0x6, v15;
	v15 =	vld.idx.msk [tilespmem:v15+s12+$0x0], $0xffff  }
0x123: {  	[tilespmem:s26+$0x120] =	vst v10;
	v10 =	vor.u32 $0x7, v7;
	v3 =	vld.idx.msk [tilespmem:v3+s12+$0x0], $0xffff  }
0x124: {  	v11 =	vld.idx.msk [tilespmem:v11+s12+$0x0], $0xffff;
	[tilespmem:s26+$0x220] =	vst v4  }
0x125: {  	s29 =	sor.u32 $0x50, s28;
	[tilespmem:s26+$0x2A0] =	vst v12;
	v12 =	vor.u32 $0x1, v7;
	v14 =	vld.idx.msk [tilespmem:v14+s12+$0x0], $0xffff  }
0x126: {  	v4 =	vmov s29;
	[tilespmem:s26+$0x320] =	vst v5;
	v9 =	vld.idx.msk [tilespmem:v13+s12+$0x0], $0xffff;
	v13 =	vor.u32 $0x4, v7  }
0x127: {  	v4 =	vshll.u32 v4, $0x5;
	v6 =	vld.idx.msk [tilespmem:v6+s12+$0x0], $0xffff;
	[tilespmem:s26+$0x3B0] =	vst v8  }
0x128: {  	v4 =	vor.u32 v0, v4;
	v8 =	vor.u32 $0x2, v7;
	[tilespmem:s26+$0x30] =	vst v15;
	v5 =	vld.idx.msk [tilespmem:v10+s12+$0x0], $0xffff  }
0x129: {  	v4 =	vadd.s32 v1, v4;
	v10 =	vor.u32 $0x3, v7;
	[tilespmem:s26+$0xB0] =	vst v3;
	v3 =	vld.idx.msk [tilespmem:v2+s12+$0x0], $0xffff  }
0x12a: {  	v2 =	vor.u32 $0x7, v4;
	v12 =	vld.idx.msk [tilespmem:v12+s12+$0x0], $0xffff;
	[tilespmem:s26+$0x230] =	vst v14  }
0x12b: {  	s30 =	sor.u32 $0x60, s28;
	[tilespmem:s26+$0x130] =	vst v11;
	v11 =	vor.u32 $0x5, v7;
	v13 =	vld.idx.msk [tilespmem:v13+s12+$0x0], $0xffff  }
0x12c: {  	v16 =	vmov s30;
	[tilespmem:s26+$0x1B0] =	vst v6;
	v6 =	vor.u32 $0x6, v7;
	v7 =	vld.idx.msk [tilespmem:v7+s12+$0x0], $0xffff  }
0x12d: {  	v14 =	vshll.u32 v16, $0x5;
	v8 =	vld.idx.msk [tilespmem:v8+s12+$0x0], $0xffff;
	[tilespmem:s26+$0x3C0] =	vst v5;
	v5 =	vor.u32 $0x1, v4  }
0x12e: {  	v16 =	vor.u32 $0x2, v4;
	v14 =	vor.u32 v0, v14;
	[tilespmem:s26+$0x2B0] =	vst v9;
	v10 =	vld.idx.msk [tilespmem:v10+s12+$0x0], $0xffff  }
0x12f: {  	[tilespmem:s26+$0x330] =	vst v3;
	v9 =	vld.idx.msk [tilespmem:v2+s12+$0x0], $0xffff;
	v2 =	vadd.s32 v1, v14;
	v14 =	vor.u32 $0x3, v4  }
0x130: {  	v11 =	vld.idx.msk [tilespmem:v11+s12+$0x0], $0xffff;
	[tilespmem:s26+$0xC0] =	vst v12;
	v12 =	vor.u32 $0x4, v4  }
0x131: {  	v3 =	vor.u32 $0x7, v2;
	v6 =	vld.idx.msk [tilespmem:v6+s12+$0x0], $0xffff;
	[tilespmem:s26+$0x240] =	vst v13  }
0x132: {  	s31 =	sor.u32 $0x70, s28;
	[tilespmem:s26+$0x140] =	vst v8;
	v5 =	vld.idx.msk [tilespmem:v5+s12+$0x0], $0xffff  }
0x133: {  	v15 =	vmov s31;
	v8 =	vor.u32 $0x5, v4;
	[tilespmem:s26+$0x1C0] =	vst v10;
	v17 =	vld.idx.msk [tilespmem:v16+s12+$0x0], $0xffff  }
0x134: {  	v15 =	vshll.u32 v15, $0x5;
	[tilespmem:s26+$0x40] =	vst v7;
	v10 =	vor.u32 $0x6, v4;
	v20 =	vld.idx.msk [tilespmem:v14+s12+$0x0], $0xffff  }
0x135: {  	v19 =	vor.u32 $0x1, v2;
	[tilespmem:s26+$0x3D0] =	vst v9;
	v9 =	vor.u32 v0, v15;
	v21 =	vld.idx.msk [tilespmem:v12+s12+$0x0], $0xffff  }
0x136: {  	v23 =	vor.u32 $0x2, v2;
	[tilespmem:s26+$0x2C0] =	vst v11;
	v18 =	vld.idx.msk [tilespmem:v3+s12+$0x0], $0xffff;
	v3 =	vadd.s32 v1, v9  }
0x137: {  	v1 =	vld.idx.msk [tilespmem:v4+s12+$0x0], $0xffff;
	[tilespmem:s26+$0x340] =	vst v6;
	v22 =	vor.u32 $0x7, v3  }
0x138: {  	v13 =	vor.u32 $0x3, v2;
	v16 =	vld.idx.msk [tilespmem:v8+s12+$0x0], $0xffff;
	[tilespmem:s26+$0xD0] =	vst v5  }
0x139: {  	v11 =	vor.u32 $0x4, v2;
	v15 =	vld.idx.msk [tilespmem:v10+s12+$0x0], $0xffff;
	[tilespmem:s26+$0x150] =	vst v17  }
0x13a: {  	v7 =	vor.u32 $0x6, v2;
	v6 =	vor.u32 $0x5, v2;
	v14 =	vld.idx.msk [tilespmem:v19+s12+$0x0], $0xffff;
	[tilespmem:s26+$0x1D0] =	vst v20  }
0x13b: {  	v12 =	vor.u32 $0x1, v3;
	v9 =	vor.u32 $0x2, v3;
	v4 =	vor.u32 $0x6, v3;
	[tilespmem:s26+$0x3E0] =	vst v18;
	v18 =	vld.idx.msk [tilespmem:v23+s12+$0x0], $0xffff  }
0x13c: {  	s28 =	simm.s32 $0x0;
	v8 =	vor.u32 $0x4, v3;
	v10 =	vor.u32 $0x3, v3;
	v5 =	vor.u32 $0x5, v3;
	[tilespmem:s26+$0x250] =	vst v21;
	v17 =	vld.idx.msk [tilespmem:v22+s12+$0x0], $0xffff  }
.LBB2_9:
0x13d: {  	s28 =	sadd.s32 $0x8, s28;
	v13 =	vld.idx.msk [tilespmem:v13+s12+$0x0], $0xffff;
	[tilespmem:s26+$0x2D0] =	vst v16  }
0x13e: {  	s25 =	sadd.s32 $0x1, s25;
	s1 =	sshrl.u32 s28, $0x2;
	p0 =	slt.u32 s28, $0x78;
	v11 =	vld.idx.msk [tilespmem:v11+s12+$0x0], $0xffff;
	[tilespmem:s26+$0x350] =	vst v15  }
0x13f: {  	s30 =	sand.u32 $0x3, s25;
	v15 =	vmov s1;
	[tilespmem:s26+$0x50] =	vst v1;
	v6 =	vld.idx.msk [tilespmem:v6+s12+$0x0], $0xffff  }
0x140: {  	s29 =	sshll.u32 s30, $0x7;
	v1 =	vshrl.u32 v15, $0x3;
	[tilespmem:s26+$0xE0] =	vst v14;
	v7 =	vld.idx.msk [tilespmem:v7+s12+$0x0], $0xffff  }
0x141: {  	v14 =	vmov s29;
	v1 =	vshll.u32 v1, $0x3;
	v2 =	vld.idx.msk [tilespmem:v2+s12+$0x0], $0xffff;
	[tilespmem:s26+$0x3F0] =	vst v17  }
0x142: {  	v14 =	vshll.u32 v14, $0x5;
	v1 =	vbroadcast v1, $0x0;
	v12 =	vld.idx.msk [tilespmem:v12+s12+$0x0], $0xffff;
	[tilespmem:s26+$0x160] =	vst v18  }
0x143: {  	v14 =	vor.u32 v0, v14;
	v9 =	vld.idx.msk [tilespmem:v9+s12+$0x0], $0xffff;
	[tilespmem:s26+$0x1E0] =	vst v13  }
0x144: {  	v13 =	vadd.s32 v1, v14;
	v10 =	vld.idx.msk [tilespmem:v10+s12+$0x0], $0xffff;
	[tilespmem:s26+$0x260] =	vst v11  }
0x145: {  	v11 =	vor.u32 $0x1, v13;
	v14 =	vor.u32 $0x2, v13;
	v15 =	vor.u32 $0x7, v13;
	v8 =	vld.idx.msk [tilespmem:v8+s12+$0x0], $0xffff;
	[tilespmem:s26+$0x2E0] =	vst v6  }
0x146: {  	v6 =	vor.u32 $0x3, v13;
	v16 =	vor.u32 $0x4, v13;
	v17 =	vor.u32 $0x5, v13;
	v5 =	vld.idx.msk [tilespmem:v5+s12+$0x0], $0xffff;
	[tilespmem:s26+$0x360] =	vst v7  }
0x147: {  	s1 =	sor.u32 $0x10, s29;
	v7 =	vor.u32 $0x6, v13;
	[tilespmem:s26+$0x60] =	vst v2;
	v2 =	vld.idx.msk [tilespmem:v4+s12+$0x0], $0xffff  }
0x148: {  	v4 =	vmov s1;
	v3 =	vld.idx.msk [tilespmem:v3+s12+$0x0], $0xffff;
	[tilespmem:s26+$0xF0] =	vst v12  }
0x149: {  	v4 =	vshll.u32 v4, $0x5;
	v12 =	vld.idx.msk [tilespmem:v13+s12+$0x0], $0xffff;
	[tilespmem:s26+$0x170] =	vst v9  }
0x14a: {  	v4 =	vor.u32 v0, v4;
	v9 =	vld.idx.msk [tilespmem:v15+s12+$0x0], $0xffff;
	[tilespmem:s26+$0x1F0] =	vst v10  }
0x14b: {  	v4 =	vadd.s32 v1, v4;
	v10 =	vld.idx.msk [tilespmem:v11+s12+$0x0], $0xffff;
	[tilespmem:s26+$0x270] =	vst v8  }
0x14c: {  	s1 =	sshll.u32 s28, $0x7;
	v8 =	vor.u32 $0x1, v4;
	v13 =	vor.u32 $0x2, v4;
	v11 =	vld.idx.msk [tilespmem:v14+s12+$0x0], $0xffff;
	v14 =	vor.u32 $0x7, v4;
	[tilespmem:s26+$0x2F0] =	vst v5  }
0x14d: {  	s30 =	sshll.u32 s30, $0xA;
	s1 =	sand.u32 $0x3FFFF000, s1;
	v15 =	vor.u32 $0x4, v4;
	v18 =	vor.u32 $0x5, v4;
	v5 =	vld.idx.msk [tilespmem:v6+s12+$0x0], $0xffff;
	v6 =	vor.u32 $0x3, v4;
	[tilespmem:s26+$0x370] =	vst v2  }
0x14e: {  	s1 =	sor.u32 s30, s1;
	s30 =	sor.u32 $0x20, s29;
	v2 =	vld.idx.msk [tilespmem:v16+s12+$0x0], $0xffff;
	v16 =	vor.u32 $0x6, v4;
	[tilespmem:s26+$0x70] =	vst v3  }
0x14f: {  	s26 =	sadd.s32 $0x12400, s1;
	v3 =	vmov s30;
	[tilespmem:s1+$0x12400] =	vst v12;
	v12 =	vld.idx.msk [tilespmem:v17+s12+$0x0], $0xffff  }
0x150: {  	v3 =	vshll.u32 v3, $0x5;
	v7 =	vld.idx.msk [tilespmem:v7+s12+$0x0], $0xffff;
	[tilespmem:s26+$0x380] =	vst v9  }
0x151: {  	v3 =	vor.u32 v0, v3;
	[tilespmem:s26+$0x80] =	vst v10;
	v9 =	vld.idx.msk [tilespmem:v14+s12+$0x0], $0xffff  }
0x152: {  	v3 =	vadd.s32 v1, v3;
	v8 =	vld.idx.msk [tilespmem:v8+s12+$0x0], $0xffff;
	[tilespmem:s26+$0x100] =	vst v11  }
0x153: {  	v10 =	vor.u32 $0x1, v3;
	v11 =	vld.idx.msk [tilespmem:v13+s12+$0x0], $0xffff;
	v13 =	vor.u32 $0x2, v3;
	[tilespmem:s26+$0x180] =	vst v5;
	v5 =	vor.u32 $0x7, v3  }
0x154: {  	v14 =	vor.u32 $0x3, v3;
	v17 =	vor.u32 $0x5, v3;
	v6 =	vld.idx.msk [tilespmem:v6+s12+$0x0], $0xffff;
	[tilespmem:s26+$0x200] =	vst v2;
	v2 =	vor.u32 $0x4, v3  }
0x155: {  	s1 =	sor.u32 $0x30, s29;
	v15 =	vld.idx.msk [tilespmem:v15+s12+$0x0], $0xffff;
	[tilespmem:s26+$0x280] =	vst v12;
	v12 =	vor.u32 $0x6, v3  }
0x156: {  	v19 =	vmov s1;
	v18 =	vld.idx.msk [tilespmem:v18+s12+$0x0], $0xffff;
	[tilespmem:s26+$0x300] =	vst v7  }
0x157: {  	v7 =	vshll.u32 v19, $0x5;
	v16 =	vld.idx.msk [tilespmem:v16+s12+$0x0], $0xffff;
	[tilespmem:s26+$0x390] =	vst v9  }
0x158: {  	v7 =	vor.u32 v0, v7;
	[tilespmem:s26+$0x90] =	vst v8;
	v5 =	vld.idx.msk [tilespmem:v5+s12+$0x0], $0xffff  }
0x159: {  	v7 =	vadd.s32 v1, v7;
	v4 =	vld.idx.msk [tilespmem:v4+s12+$0x0], $0xffff;
	[tilespmem:s26+$0x110] =	vst v11  }
0x15a: {  	v9 =	vor.u32 $0x1, v7;
	v8 =	vld.idx.msk [tilespmem:v10+s12+$0x0], $0xffff;
	v10 =	vor.u32 $0x2, v7;
	[tilespmem:s26+$0x190] =	vst v6;
	v6 =	vor.u32 $0x7, v7  }
0x15b: {  	v19 =	vor.u32 $0x5, v7;
	v11 =	vld.idx.msk [tilespmem:v13+s12+$0x0], $0xffff;
	v13 =	vor.u32 $0x3, v7;
	[tilespmem:s26+$0x210] =	vst v15;
	v15 =	vor.u32 $0x4, v7  }
0x15c: {  	s1 =	sor.u32 $0x40, s29;
	v14 =	vld.idx.msk [tilespmem:v14+s12+$0x0], $0xffff;
	[tilespmem:s26+$0x290] =	vst v18;
	v18 =	vor.u32 $0x6, v7  }
0x15d: {  	v20 =	vmov s1;
	v2 =	vld.idx.msk [tilespmem:v2+s12+$0x0], $0xffff;
	[tilespmem:s26+$0x310] =	vst v16  }
0x15e: {  	v16 =	vshll.u32 v20, $0x5;
	v17 =	vld.idx.msk [tilespmem:v17+s12+$0x0], $0xffff;
	[tilespmem:s26+$0x3A0] =	vst v5  }
0x15f: {  	[tilespmem:s26+$0x10] =	vst v4;
	v4 =	vor.u32 v0, v16;
	v5 =	vld.idx.msk [tilespmem:v6+s12+$0x0], $0xffff  }
0x160: {  	v4 =	vadd.s32 v1, v4;
	[tilespmem:s26+$0xA0] =	vst v8;
	v6 =	vld.idx.msk [tilespmem:v12+s12+$0x0], $0xffff  }
0x161: {  	v3 =	vld.idx.msk [tilespmem:v3+s12+$0x0], $0xffff;
	v8 =	vor.u32 $0x1, v4;
	[tilespmem:s26+$0x120] =	vst v11;
	v11 =	vor.u32 $0x2, v4;
	v12 =	vor.u32 $0x7, v4  }
0x162: {  	v16 =	vor.u32 $0x4, v4;
	v20 =	vor.u32 $0x5, v4;
	v9 =	vld.idx.msk [tilespmem:v9+s12+$0x0], $0xffff;
	[tilespmem:s26+$0x1A0] =	vst v14;
	v14 =	vor.u32 $0x3, v4  }
0x163: {  	s1 =	sor.u32 $0x50, s29;
	v21 =	vor.u32 $0x6, v4;
	v10 =	vld.idx.msk [tilespmem:v10+s12+$0x0], $0xffff;
	[tilespmem:s26+$0x220] =	vst v2  }
0x164: {  	v2 =	vmov s1;
	v13 =	vld.idx.msk [tilespmem:v13+s12+$0x0], $0xffff;
	[tilespmem:s26+$0x2A0] =	vst v17  }
0x165: {  	v2 =	vshll.u32 v2, $0x5;
	v15 =	vld.idx.msk [tilespmem:v15+s12+$0x0], $0xffff;
	[tilespmem:s26+$0x3B0] =	vst v5  }
0x166: {  	v2 =	vor.u32 v0, v2;
	[tilespmem:s26+$0x320] =	vst v6;
	v5 =	vld.idx.msk [tilespmem:v12+s12+$0x0], $0xffff  }
0x167: {  	v17 =	vadd.s32 v1, v2;
	[tilespmem:s26+$0x20] =	vst v3;
	v2 =	vld.idx.msk [tilespmem:v19+s12+$0x0], $0xffff  }
0x168: {  	v3 =	vor.u32 $0x1, v17;
	v12 =	vor.u32 $0x7, v17;
	[tilespmem:s26+$0xB0] =	vst v9;
	v9 =	vor.u32 $0x2, v17;
	v6 =	vld.idx.msk [tilespmem:v18+s12+$0x0], $0xffff  }
0x169: {  	v19 =	vor.u32 $0x5, v17;
	v18 =	vor.u32 $0x4, v17;
	v7 =	vld.idx.msk [tilespmem:v7+s12+$0x0], $0xffff;
	[tilespmem:s26+$0x130] =	vst v10;
	v10 =	vor.u32 $0x3, v17  }
0x16a: {  	s1 =	sor.u32 $0x60, s29;
	v22 =	vor.u32 $0x6, v17;
	v8 =	vld.idx.msk [tilespmem:v8+s12+$0x0], $0xffff;
	[tilespmem:s26+$0x1B0] =	vst v13  }
0x16b: {  	v13 =	vmov s1;
	v23 =	vld.idx.msk [tilespmem:v11+s12+$0x0], $0xffff;
	[tilespmem:s26+$0x230] =	vst v15  }
0x16c: {  	v11 =	vshll.u32 v13, $0x5;
	v14 =	vld.idx.msk [tilespmem:v14+s12+$0x0], $0xffff;
	[tilespmem:s26+$0x3C0] =	vst v5  }
0x16d: {  	v5 =	vor.u32 v0, v11;
	[tilespmem:s26+$0x2B0] =	vst v2;
	v12 =	vld.idx.msk [tilespmem:v12+s12+$0x0], $0xffff  }
0x16e: {  	v2 =	vadd.s32 v1, v5;
	v5 =	vld.idx.msk [tilespmem:v16+s12+$0x0], $0xffff;
	[tilespmem:s26+$0x330] =	vst v6  }
0x16f: {  	v24 =	vor.u32 $0x1, v2;
	v25 =	vor.u32 $0x2, v2;
	v16 =	vor.u32 $0x7, v2;
	[tilespmem:s26+$0x30] =	vst v7;
	v15 =	vld.idx.msk [tilespmem:v20+s12+$0x0], $0xffff  }
0x170: {  	v13 =	vor.u32 $0x3, v2;
	v11 =	vor.u32 $0x4, v2;
	v6 =	vor.u32 $0x5, v2;
	[tilespmem:s26+$0xC0] =	vst v8;
	v8 =	vld.idx.msk [tilespmem:v21+s12+$0x0], $0xffff  }
0x171: {  	s1 =	sor.u32 $0x70, s29;
	v7 =	vor.u32 $0x6, v2;
	v4 =	vld.idx.msk [tilespmem:v4+s12+$0x0], $0xffff;
	[tilespmem:s26+$0x140] =	vst v23  }
0x172: {  	v20 =	vmov s1;
	v21 =	vld.idx.msk [tilespmem:v3+s12+$0x0], $0xffff;
	[tilespmem:s26+$0x1C0] =	vst v14  }
0x173: {  	v3 =	vshll.u32 v20, $0x5;
	v14 =	vld.idx.msk [tilespmem:v9+s12+$0x0], $0xffff;
	[tilespmem:s26+$0x3D0] =	vst v12  }
0x174: {  	v3 =	vor.u32 v0, v3;
	[tilespmem:s26+$0x240] =	vst v5;
	v20 =	vld.idx.msk [tilespmem:v16+s12+$0x0], $0xffff  }
0x175: {  	v3 =	vadd.s32 v1, v3;
	v23 =	vld.idx.msk [tilespmem:v10+s12+$0x0], $0xffff;
	[tilespmem:s26+$0x2C0] =	vst v15  }
0x176: {  	v12 =	vor.u32 $0x1, v3;
	v9 =	vor.u32 $0x2, v3;
	v26 =	vld.idx.msk [tilespmem:v18+s12+$0x0], $0xffff;
	[tilespmem:s26+$0x340] =	vst v8;
	v18 =	vor.u32 $0x7, v3  }
0x177: {  	v10 =	vor.u32 $0x3, v3;
	v5 =	vor.u32 $0x5, v3;
	v8 =	vor.u32 $0x4, v3;
	[tilespmem:s26+$0x40] =	vst v4;
	v16 =	vld.idx.msk [tilespmem:v19+s12+$0x0], $0xffff  }
.Ltmp6:
0x178: {  	v4 =	vor.u32 $0x6, v3;
	[tilespmem:s26+$0xD0] =	vst v21;
	v15 =	vld.idx.msk [tilespmem:v22+s12+$0x0], $0xffff;
	(pc) =	sbr.rel @p0 .LBB2_9-.Ltmp6, $4  }
0x179: {  	v1 =	vld.idx.msk [tilespmem:v17+s12+$0x0], $0xffff;
	[tilespmem:s26+$0x150] =	vst v14  }
0x17a: {  	v14 =	vld.idx.msk [tilespmem:v24+s12+$0x0], $0xffff;
	[tilespmem:s26+$0x3E0] =	vst v20  }
0x17b: {  	[tilespmem:s26+$0x1D0] =	vst v23;
	v17 =	vld.idx.msk [tilespmem:v18+s12+$0x0], $0xffff  }
0x17c: {  	v18 =	vld.idx.msk [tilespmem:v25+s12+$0x0], $0xffff;
	[tilespmem:s26+$0x250] =	vst v26  }
0x17d: {  	_ =	sdelay $0x2  }
0x17e: {  	[tilespmem:s26+$0x2D0] =	vst v16  }
0x17f: {  	v13 =	vld.idx.msk [tilespmem:v13+s12+$0x0], $0xffff;
	[tilespmem:s26+$0x350] =	vst v15  }
0x180: {  	v11 =	vld.idx.msk [tilespmem:v11+s12+$0x0], $0xffff;
	[tilespmem:s26+$0x50] =	vst v1  }
0x181: {  	v1 =	vld.idx.msk [tilespmem:v6+s12+$0x0], $0xffff;
	[tilespmem:s26+$0xE0] =	vst v14  }
0x182: {  	v62 =	vld.idx.msk [tilespmem:v7+s12+$0x0], $0xffff;
	[tilespmem:s26+$0x3F0] =	vst v17  }
0x183: {  	v2 =	vld.idx.msk [tilespmem:v2+s12+$0x0], $0xffff;
	[tilespmem:s26+$0x160] =	vst v18  }
0x184: {  	v63 =	vld.idx.msk [tilespmem:v12+s12+$0x0], $0xffff;
	[tilespmem:s26+$0x1E0] =	vst v13  }
0x185: {  	v9 =	vld.idx.msk [tilespmem:v9+s12+$0x0], $0xffff;
	[tilespmem:s26+$0x260] =	vst v11  }
0x186: {  	v10 =	vld.idx.msk [tilespmem:v10+s12+$0x0], $0xffff;
	[tilespmem:s26+$0x2E0] =	vst v1  }
0x187: {  	v1 =	vld.idx.msk [tilespmem:v8+s12+$0x0], $0xffff;
	[tilespmem:s26+$0x360] =	vst v62  }
0x188: {  	v5 =	vld.idx.msk [tilespmem:v5+s12+$0x0], $0xffff;
	[tilespmem:s26+$0x60] =	vst v2  }
0x189: {  	v2 =	vld.idx.msk [tilespmem:v4+s12+$0x0], $0xffff;
	[tilespmem:s26+$0xF0] =	vst v63  }
0x18a: {  	v3 =	vld.idx.msk [tilespmem:v3+s12+$0x0], $0xffff;
	[tilespmem:s26+$0x170] =	vst v9  }
0x18b: {  	p0 =	seq.s32 s22, $0x18;
	[tilespmem:s26+$0x1F0] =	vst v10  }
.Ltmp7:
0x18c: {  	[tilespmem:s26+$0x270] =	vst v1;
	(pc) =	sbr.rel @p0 .LBB2_12-.Ltmp7, $4  }
0x18d: {  	[tilespmem:s26+$0x2F0] =	vst v5  }
0x18e: {  	[tilespmem:s26+$0x370] =	vst v2  }
0x18f: {  	s1 =	sadd.s32 s24, s7;
	[tilespmem:s26+$0x70] =	vst v3  }
0x190: {  	[hbm4b:s1+s14] =	stream.strided.scatter [tilespmem:s19], [sflag:$0x4], $0x4000, s15, s14, $0x38;
	[tilespmem:$0x16400] =	vst v63  }
.Ltmp8:
0x191: {  	(pc) =	sbr.rel .LBB2_2-.Ltmp8, $4  }
0x192: {  	_ = 	snop  }
0x193: {  	s1 =	sshrl.u32 s23, $0x2  }
0x194: {  	s22 =	sadd.s32 $0x1, s22;
	s1 =	sadd.s32 $0x600, s1  }
0x195: {  	[tilespmem:s12], [sflag:$0x2] =	stream.indirect.gather [hbm4b:s4+s10], $0x20, s1, s10, $0xb8;
	[tilespmem:$0x16400] =	vst v63  }
.LBB2_13:
0x196: {  	_ =	sfence.sel $0x180000  }
0x197: {  	[bflag:$0x0] =	sbarrier.arrive $0xFFFF  }
0x198: {  	_ =	strace $0x90000047  }
0x199: {  	[bflag:$0x2] =	sbarrier.arrive $0xFFFF  }
0x19a: {  	p0 =	sne.s32 s0, $0x0;
	s0 =	rddreg [dreg:$0x2]  }
0x19b: {  	s0 =	sadd.s32 @!p0 $0x100000, s0  }
0x19c: {  	[sflag:s0] =	ssyncadd.tile.s32 @!p0 $0x1;
	_ =	shalt  }
.Lfunc_end2:
_tile_overlayer_lowered:
.L_overlay_start_2:
0x19d: {  	(tag) =	ssettag $0x2  }
0x19e: {  	s0 =	rddreg [dreg:$0x0];
	s2 =	stileid.u32  }
0x19f: {  	s1 =	rddreg [dreg:$0x1];
	p0 =	sne.s32 s2, $0x0  }
0x1a0: {  	s3 =	rddreg [dreg:$0x2];
	[bflag:$0x3] =	sbarrier.arrive $0xFFFF;
	s2 =	simm.s32 @!p0 $0x1C05  }
0x1a1: {  	[timem:s3], [sflag:s2] =	dma.local @!p0 [hbm:s0], s1  }
0x1a2: {  	s0 =	simm.s32 @!p0 $0x5  }
0x1a3: {  	_ =	swait.ge @!p0 [sflag:s0], s1  }
0x1a4: {  	s1 =	ssub.s32 @!p0 $0x0, s1;
	[sflag:s0] =	ssyncset.done @!p0 $0x0  }
0x1a5: {  	[sflag:s0] =	ssyncadd.s32 @!p0 s1  }
0x1a6: {  	[bflag:$0x3] =	sbarrier.arrive $0xFFFF  }
0x1a7: {  	_ =	shalt  }

</sc_bundles>
